<compile_context>
chip_gen: v7x
topology: tpu7x:2x2x1
jax: 0.10.2.dev20260603
libtpu: 0.0.44.dev20260713+nightly
codegen_flags: <defaults>
</compile_context>

<pallas_src>
import functools
import math

import jax
import jax.numpy as jnp
from jax import lax
from jax.experimental import pallas as pl
from jax.experimental.pallas import tpu as pltpu
from jax.experimental.pallas import tpu_sc as plsc

_NC = 2
_NS = 16
_NW = _NC * _NS


@functools.cache
def _build_gather(B, V, D, C):
  assert B % (_NW * C) == 0 and C % 8 == 0
  bpw = B // _NW
  T = bpw // C
  assert T % 2 == 0

  mesh = plsc.VectorSubcoreMesh(core_axis_name="c", subcore_axis_name="s")

  @functools.partial(
      pl.kernel,
      out_type=jax.ShapeDtypeStruct((B, 2 * D), jnp.float32),
      mesh=mesh,
      scratch_types=[
          pltpu.VMEM((bpw,), jnp.int32),
          pltpu.VMEM((C,), jnp.int32),
          pltpu.VMEM((C,), jnp.int32),
          pltpu.VMEM((2, C, 2 * D), jnp.float32),
          pltpu.SemaphoreType.DMA,
          pltpu.SemaphoreType.DMA,
          pltpu.SemaphoreType.DMA,
          pltpu.SemaphoreType.DMA,
      ],
      compiler_params=pltpu.CompilerParams(
          use_tc_tiling_on_sc=True, needs_layout_passes=False),
  )
  def gather_kernel(idx_hbm, table_hbm, out_hbm, idx_v, u_v0, u_v1, rows_v,
                    g0, g1, w0, w1):
    wid = lax.axis_index("s") * _NC + lax.axis_index("c")
    row0 = wid * bpw
    u_v = [u_v0, u_v1]
    gsem = [g0, g1]
    wsem = [w0, w1]

    pltpu.sync_copy(idx_hbm.at[pl.ds(row0, bpw)], idx_v)

    def fire_gather(t, b):
      for k in range(C // 16):
        sl = pl.ds(k * 16, 16)
        u_v[b][sl] = idx_v[pl.ds(t * C + k * 16, 16)]
      pltpu.async_copy(table_hbm.at[u_v[b]], rows_v.at[b], gsem[b])

    def wait_gather(b):
      pltpu.make_async_copy(table_hbm.at[u_v[b]], rows_v.at[b],
                            gsem[b]).wait()

    def fire_write(t, b):
      pltpu.async_copy(rows_v.at[b], out_hbm.at[pl.ds(row0 + t * C, C)],
                       wsem[b])

    def wait_write(t, b):
      pltpu.make_async_copy(rows_v.at[b], out_hbm.at[pl.ds(row0 + t * C, C)],
                            wsem[b]).wait()

    fire_gather(0, 0)

    def step(tt):
      for par in range(2):
        t = tt + par

        @pl.when(t >= 1)
        def _():
          wait_write(t - 1, 1 - par)

        @pl.when(t + 1 < T)
        def _():
          fire_gather(t + 1, 1 - par)

        wait_gather(par)
        fire_write(t, par)

    pl.loop(0, T, step=2)(step)

    wait_write(T - 1, 1)

  return gather_kernel


@functools.cache
def _build_pack(B, S, D):
  Bb = B // S
  JB = Bb // 128
  scale = math.sqrt(D)

  def pack_kernel(rows_ref, u_ref):
    blk_t = jnp.swapaxes(rows_ref[0], 0, 1)
    u_ref[0] = blk_t[:D] * scale

  return pl.pallas_call(
      pack_kernel,
      grid=(S,),
      in_specs=[
          pl.BlockSpec((1, Bb, 2 * D), lambda s: (s, 0, 0)),
      ],
      out_specs=pl.BlockSpec((1, D, Bb), lambda s: (s, 0, 0)),
      out_shape=jax.ShapeDtypeStruct((S, D, Bb), jnp.float32),
  )


def kernel(x, table):
  Bb, S = x.shape
  V, D = table.shape
  B = Bb * S
  xf = jnp.transpose(x).reshape(B).astype(jnp.int32)
  t2 = jnp.pad(table, ((0, 0), (0, D)))
  pairs = _build_gather(B, V, D, 320)(xf, t2)
  u = _build_pack(B, S, D)(pairs.reshape(S, Bb, 2 * D))
  return jnp.transpose(u, (2, 0, 1))

# --- scband reference (transcript-rebuilt; emitter-appended) ---
"""Pipeline reference for scband-input-embeddings-78486232367611 (READ-ONLY COPY).

The authoritative reference and input builder live on the scoring server;
editing this copy changes nothing except your own understanding.
"""

import jax, jax.numpy as jnp
import numpy as np
import math

VOCAB = 1000000
HIDDEN = 64
BATCH = 4096
SEQ = 200

def setup_inputs(seed: int = 0) -> dict:
    key = jax.random.key(seed)
    k_idx, k_tab = jax.random.split(key)
    x = jax.random.randint(k_idx, (BATCH, SEQ), 0, VOCAB, dtype=jnp.int64 if jax.config.jax_enable_x64 else jnp.int32)
    table = jax.random.normal(k_tab, (VOCAB, HIDDEN), dtype=jnp.float32)
    return {"x": x, "table": table}

def reference(x, table):
    # nn.Embedding lookup followed by sqrt(hidden_size) scaling
    emb = jnp.take(table, x, axis=0)
    return emb * math.sqrt(HIDDEN)

if __name__ == "__main__":
    import jax
    _d = setup_inputs()
    print(jax.jit(kernel)(*tuple(_d.values())))

</pallas_src>

<mosaic_0001>
#map = affine_map<(d0, d1) -> (0)>
#map1 = affine_map<(d0, d1) -> (0, 0)>
module attributes {stable_mosaic.version = 14 : i64} {
  func.func @gather_kernel(%arg0: i32, %arg1: i32, %arg2: memref<819200xi32, #tpu.memory_space<hbm>>, %arg3: memref<1000000x128xf32, #tpu.memory_space<hbm>>, %arg4: memref<819200x128xf32, #tpu.memory_space<hbm>>, %arg5: memref<25600xi32, #tpu.memory_space<vmem>>, %arg6: memref<320xi32, #tpu.memory_space<vmem>>, %arg7: memref<320xi32, #tpu.memory_space<vmem>>, %arg8: memref<2x320x128xf32, #tpu.memory_space<vmem>>, %arg9: memref<!tpu.dma_semaphore, #tpu.memory_space<semaphore_mem>>, %arg10: memref<!tpu.dma_semaphore, #tpu.memory_space<semaphore_mem>>, %arg11: memref<!tpu.dma_semaphore, #tpu.memory_space<semaphore_mem>>, %arg12: memref<!tpu.dma_semaphore, #tpu.memory_space<semaphore_mem>>) attributes {dimension_semantics = [#tpu.dimension_semantics<core_parallel>, #tpu.dimension_semantics<subcore_parallel>], iteration_bounds = array<i64: 2, 16>, scalar_prefetch = 0 : i64, scratch_operands = 8 : i64, tpu.core_type = #tpu.core_type<sc_vector_subcore>, window_params = [{transform_indices = #map}, {transform_indices = #map1}, {transform_indices = #map1}]} {
    %mul3A = arith.constant 2 : i32
    %mul3A_0 = arith.muli %arg1, %mul3A : i32
    %add3A = arith.addi %mul3A_0, %arg0 : i32
    %mul3A_1 = arith.constant 25600 : i32
    %mul3A_2 = arith.muli %add3A, %mul3A_1 : i32
    "tpu.region"() ({
      %run_scoped3A = tpu.sem_alloc : memref<!tpu.dma_semaphore, #tpu.memory_space<semaphore_mem>>
      %dma_start3A_106 = tpu.memref_slice %arg2[%mul3A_2] : memref<819200xi32, #tpu.memory_space<hbm>> -> memref<25600xi32, #tpu.memory_space<hbm>>
      %dma_start3A_107 = tpu.memref_slice %arg2[%mul3A_2] : memref<819200xi32, #tpu.memory_space<hbm>> -> memref<25600xi32, #tpu.memory_space<hbm>>
      tpu.enqueue_dma source(%dma_start3A_107 : memref<25600xi32, #tpu.memory_space<hbm>>) target(%arg5 : memref<25600xi32, #tpu.memory_space<vmem>>) target_semaphore(%run_scoped3A : memref<!tpu.dma_semaphore, #tpu.memory_space<semaphore_mem>>)
      %dma_wait3A_108 = tpu.memref_slice %arg2[%mul3A_2] : memref<819200xi32, #tpu.memory_space<hbm>> -> memref<25600xi32, #tpu.memory_space<hbm>>
      %dma_wait3A_109 = tpu.memref_slice %arg2[%mul3A_2] : memref<819200xi32, #tpu.memory_space<hbm>> -> memref<25600xi32, #tpu.memory_space<hbm>>
      tpu.wait_dma2 semaphore(%run_scoped3A : memref<!tpu.dma_semaphore, #tpu.memory_space<semaphore_mem>>) src(%dma_wait3A_109 : memref<25600xi32, #tpu.memory_space<hbm>>) dst(%arg5 : memref<25600xi32, #tpu.memory_space<vmem>>)
      tpu.yield
    }) : () -> ()
    %get3A = arith.constant 0 : index
    %get3A_3 = tpu.vector_load %arg5[%get3A] {strides = array<i32>} : memref<25600xi32, #tpu.memory_space<vmem>>, vector<16xi32>,
    %swap3A = arith.constant 0 : index
    %swap3A_4 = tpu.vector_load %arg6[%swap3A] {strides = array<i32>} : memref<320xi32, #tpu.memory_space<vmem>>, vector<16xi32>,
    tpu.vector_store %arg6[%swap3A], %get3A_3 {strides = array<i32>} : memref<320xi32, #tpu.memory_space<vmem>>, vector<16xi32>,
    %get3A_5 = arith.constant 16 : index
    %get3A_6 = tpu.vector_load %arg5[%get3A_5] {strides = array<i32>} : memref<25600xi32, #tpu.memory_space<vmem>>, vector<16xi32>,
    %swap3A_7 = arith.constant 16 : index
    %swap3A_8 = tpu.vector_load %arg6[%swap3A_7] {strides = array<i32>} : memref<320xi32, #tpu.memory_space<vmem>>, vector<16xi32>,
    tpu.vector_store %arg6[%swap3A_7], %get3A_6 {strides = array<i32>} : memref<320xi32, #tpu.memory_space<vmem>>, vector<16xi32>,
    %get3A_9 = arith.constant 32 : index
    %get3A_10 = tpu.vector_load %arg5[%get3A_9] {strides = array<i32>} : memref<25600xi32, #tpu.memory_space<vmem>>, vector<16xi32>,
    %swap3A_11 = arith.constant 32 : index
    %swap3A_12 = tpu.vector_load %arg6[%swap3A_11] {strides = array<i32>} : memref<320xi32, #tpu.memory_space<vmem>>, vector<16xi32>,
    tpu.vector_store %arg6[%swap3A_11], %get3A_10 {strides = array<i32>} : memref<320xi32, #tpu.memory_space<vmem>>, vector<16xi32>,
    %get3A_13 = arith.constant 48 : index
    %get3A_14 = tpu.vector_load %arg5[%get3A_13] {strides = array<i32>} : memref<25600xi32, #tpu.memory_space<vmem>>, vector<16xi32>,
    %swap3A_15 = arith.constant 48 : index
    %swap3A_16 = tpu.vector_load %arg6[%swap3A_15] {strides = array<i32>} : memref<320xi32, #tpu.memory_space<vmem>>, vector<16xi32>,
    tpu.vector_store %arg6[%swap3A_15], %get3A_14 {strides = array<i32>} : memref<320xi32, #tpu.memory_space<vmem>>, vector<16xi32>,
    %get3A_17 = arith.constant 64 : index
    %get3A_18 = tpu.vector_load %arg5[%get3A_17] {strides = array<i32>} : memref<25600xi32, #tpu.memory_space<vmem>>, vector<16xi32>,
    %swap3A_19 = arith.constant 64 : index
    %swap3A_20 = tpu.vector_load %arg6[%swap3A_19] {strides = array<i32>} : memref<320xi32, #tpu.memory_space<vmem>>, vector<16xi32>,
    tpu.vector_store %arg6[%swap3A_19], %get3A_18 {strides = array<i32>} : memref<320xi32, #tpu.memory_space<vmem>>, vector<16xi32>,
    %get3A_21 = arith.constant 80 : index
    %get3A_22 = tpu.vector_load %arg5[%get3A_21] {strides = array<i32>} : memref<25600xi32, #tpu.memory_space<vmem>>, vector<16xi32>,
    %swap3A_23 = arith.constant 80 : index
    %swap3A_24 = tpu.vector_load %arg6[%swap3A_23] {strides = array<i32>} : memref<320xi32, #tpu.memory_space<vmem>>, vector<16xi32>,
    tpu.vector_store %arg6[%swap3A_23], %get3A_22 {strides = array<i32>} : memref<320xi32, #tpu.memory_space<vmem>>, vector<16xi32>,
    %get3A_25 = arith.constant 96 : index
    %get3A_26 = tpu.vector_load %arg5[%get3A_25] {strides = array<i32>} : memref<25600xi32, #tpu.memory_space<vmem>>, vector<16xi32>,
    %swap3A_27 = arith.constant 96 : index
    %swap3A_28 = tpu.vector_load %arg6[%swap3A_27] {strides = array<i32>} : memref<320xi32, #tpu.memory_space<vmem>>, vector<16xi32>,
    tpu.vector_store %arg6[%swap3A_27], %get3A_26 {strides = array<i32>} : memref<320xi32, #tpu.memory_space<vmem>>, vector<16xi32>,
    %get3A_29 = arith.constant 112 : index
    %get3A_30 = tpu.vector_load %arg5[%get3A_29] {strides = array<i32>} : memref<25600xi32, #tpu.memory_space<vmem>>, vector<16xi32>,
    %swap3A_31 = arith.constant 112 : index
    %swap3A_32 = tpu.vector_load %arg6[%swap3A_31] {strides = array<i32>} : memref<320xi32, #tpu.memory_space<vmem>>, vector<16xi32>,
    tpu.vector_store %arg6[%swap3A_31], %get3A_30 {strides = array<i32>} : memref<320xi32, #tpu.memory_space<vmem>>, vector<16xi32>,
    %get3A_33 = arith.constant 128 : index
    %get3A_34 = tpu.vector_load %arg5[%get3A_33] {strides = array<i32>} : memref<25600xi32, #tpu.memory_space<vmem>>, vector<16xi32>,
    %swap3A_35 = arith.constant 128 : index
    %swap3A_36 = tpu.vector_load %arg6[%swap3A_35] {strides = array<i32>} : memref<320xi32, #tpu.memory_space<vmem>>, vector<16xi32>,
    tpu.vector_store %arg6[%swap3A_35], %get3A_34 {strides = array<i32>} : memref<320xi32, #tpu.memory_space<vmem>>, vector<16xi32>,
    %get3A_37 = arith.constant 144 : index
    %get3A_38 = tpu.vector_load %arg5[%get3A_37] {strides = array<i32>} : memref<25600xi32, #tpu.memory_space<vmem>>, vector<16xi32>,
    %swap3A_39 = arith.constant 144 : index
    %swap3A_40 = tpu.vector_load %arg6[%swap3A_39] {strides = array<i32>} : memref<320xi32, #tpu.memory_space<vmem>>, vector<16xi32>,
    tpu.vector_store %arg6[%swap3A_39], %get3A_38 {strides = array<i32>} : memref<320xi32, #tpu.memory_space<vmem>>, vector<16xi32>,
    %get3A_41 = arith.constant 160 : index
    %get3A_42 = tpu.vector_load %arg5[%get3A_41] {strides = array<i32>} : memref<25600xi32, #tpu.memory_space<vmem>>, vector<16xi32>,
    %swap3A_43 = arith.constant 160 : index
    %swap3A_44 = tpu.vector_load %arg6[%swap3A_43] {strides = array<i32>} : memref<320xi32, #tpu.memory_space<vmem>>, vector<16xi32>,
    tpu.vector_store %arg6[%swap3A_43], %get3A_42 {strides = array<i32>} : memref<320xi32, #tpu.memory_space<vmem>>, vector<16xi32>,
    %get3A_45 = arith.constant 176 : index
    %get3A_46 = tpu.vector_load %arg5[%get3A_45] {strides = array<i32>} : memref<25600xi32, #tpu.memory_space<vmem>>, vector<16xi32>,
    %swap3A_47 = arith.constant 176 : index
    %swap3A_48 = tpu.vector_load %arg6[%swap3A_47] {strides = array<i32>} : memref<320xi32, #tpu.memory_space<vmem>>, vector<16xi32>,
    tpu.vector_store %arg6[%swap3A_47], %get3A_46 {strides = array<i32>} : memref<320xi32, #tpu.memory_space<vmem>>, vector<16xi32>,
    %get3A_49 = arith.constant 192 : index
    %get3A_50 = tpu.vector_load %arg5[%get3A_49] {strides = array<i32>} : memref<25600xi32, #tpu.memory_space<vmem>>, vector<16xi32>,
    %swap3A_51 = arith.constant 192 : index
    %swap3A_52 = tpu.vector_load %arg6[%swap3A_51] {strides = array<i32>} : memref<320xi32, #tpu.memory_space<vmem>>, vector<16xi32>,
    tpu.vector_store %arg6[%swap3A_51], %get3A_50 {strides = array<i32>} : memref<320xi32, #tpu.memory_space<vmem>>, vector<16xi32>,
    %get3A_53 = arith.constant 208 : index
    %get3A_54 = tpu.vector_load %arg5[%get3A_53] {strides = array<i32>} : memref<25600xi32, #tpu.memory_space<vmem>>, vector<16xi32>,
    %swap3A_55 = arith.constant 208 : index
    %swap3A_56 = tpu.vector_load %arg6[%swap3A_55] {strides = array<i32>} : memref<320xi32, #tpu.memory_space<vmem>>, vector<16xi32>,
    tpu.vector_store %arg6[%swap3A_55], %get3A_54 {strides = array<i32>} : memref<320xi32, #tpu.memory_space<vmem>>, vector<16xi32>,
    %get3A_57 = arith.constant 224 : index
    %get3A_58 = tpu.vector_load %arg5[%get3A_57] {strides = array<i32>} : memref<25600xi32, #tpu.memory_space<vmem>>, vector<16xi32>,
    %swap3A_59 = arith.constant 224 : index
    %swap3A_60 = tpu.vector_load %arg6[%swap3A_59] {strides = array<i32>} : memref<320xi32, #tpu.memory_space<vmem>>, vector<16xi32>,
    tpu.vector_store %arg6[%swap3A_59], %get3A_58 {strides = array<i32>} : memref<320xi32, #tpu.memory_space<vmem>>, vector<16xi32>,
    %get3A_61 = arith.constant 240 : index
    %get3A_62 = tpu.vector_load %arg5[%get3A_61] {strides = array<i32>} : memref<25600xi32, #tpu.memory_space<vmem>>, vector<16xi32>,
    %swap3A_63 = arith.constant 240 : index
    %swap3A_64 = tpu.vector_load %arg6[%swap3A_63] {strides = array<i32>} : memref<320xi32, #tpu.memory_space<vmem>>, vector<16xi32>,
    tpu.vector_store %arg6[%swap3A_63], %get3A_62 {strides = array<i32>} : memref<320xi32, #tpu.memory_space<vmem>>, vector<16xi32>,
    %get3A_65 = arith.constant 256 : index
    %get3A_66 = tpu.vector_load %arg5[%get3A_65] {strides = array<i32>} : memref<25600xi32, #tpu.memory_space<vmem>>, vector<16xi32>,
    %swap3A_67 = arith.constant 256 : index
    %swap3A_68 = tpu.vector_load %arg6[%swap3A_67] {strides = array<i32>} : memref<320xi32, #tpu.memory_space<vmem>>, vector<16xi32>,
    tpu.vector_store %arg6[%swap3A_67], %get3A_66 {strides = array<i32>} : memref<320xi32, #tpu.memory_space<vmem>>, vector<16xi32>,
    %get3A_69 = arith.constant 272 : index
    %get3A_70 = tpu.vector_load %arg5[%get3A_69] {strides = array<i32>} : memref<25600xi32, #tpu.memory_space<vmem>>, vector<16xi32>,
    %swap3A_71 = arith.constant 272 : index
    %swap3A_72 = tpu.vector_load %arg6[%swap3A_71] {strides = array<i32>} : memref<320xi32, #tpu.memory_space<vmem>>, vector<16xi32>,
    tpu.vector_store %arg6[%swap3A_71], %get3A_70 {strides = array<i32>} : memref<320xi32, #tpu.memory_space<vmem>>, vector<16xi32>,
    %get3A_73 = arith.constant 288 : index
    %get3A_74 = tpu.vector_load %arg5[%get3A_73] {strides = array<i32>} : memref<25600xi32, #tpu.memory_space<vmem>>, vector<16xi32>,
    %swap3A_75 = arith.constant 288 : index
    %swap3A_76 = tpu.vector_load %arg6[%swap3A_75] {strides = array<i32>} : memref<320xi32, #tpu.memory_space<vmem>>, vector<16xi32>,
    tpu.vector_store %arg6[%swap3A_75], %get3A_74 {strides = array<i32>} : memref<320xi32, #tpu.memory_space<vmem>>, vector<16xi32>,
    %get3A_77 = arith.constant 304 : index
    %get3A_78 = tpu.vector_load %arg5[%get3A_77] {strides = array<i32>} : memref<25600xi32, #tpu.memory_space<vmem>>, vector<16xi32>,
    %swap3A_79 = arith.constant 304 : index
    %swap3A_80 = tpu.vector_load %arg6[%swap3A_79] {strides = array<i32>} : memref<320xi32, #tpu.memory_space<vmem>>, vector<16xi32>,
    tpu.vector_store %arg6[%swap3A_79], %get3A_78 {strides = array<i32>} : memref<320xi32, #tpu.memory_space<vmem>>, vector<16xi32>,
    %dma_start3A = arith.constant 0 : i32
    %dma_start3A_81 = arith.constant 0 : i32
    %dma_start3A_82 = arith.constant 0 : i32
    %dma_start3A_83 = tpu.memref_slice %arg8[%dma_start3A, %dma_start3A_81, %dma_start3A_82] : memref<2x320x128xf32, #tpu.memory_space<vmem>> -> memref<1x320x128xf32, #tpu.memory_space<vmem>>
    %dma_start3A_84 = tpu.memref_squeeze %dma_start3A_83 : memref<1x320x128xf32, #tpu.memory_space<vmem>> -> memref<320x128xf32, #tpu.memory_space<vmem>>
    %dma_start3A_85 = arith.constant 0 : i32
    %dma_start3A_86 = arith.constant 0 : i32
    %dma_start3A_87 = tpu.memref_slice %arg3[%dma_start3A_85, %dma_start3A_86] : memref<1000000x128xf32, #tpu.memory_space<hbm>> -> memref<1000000x128xf32, #tpu.memory_space<hbm>>
    tpu.enqueue_indirect_dma source(%dma_start3A_87 : memref<1000000x128xf32, #tpu.memory_space<hbm>>) target(%dma_start3A_84 : memref<320x128xf32, #tpu.memory_space<vmem>>) offsets(%arg6 : memref<320xi32, #tpu.memory_space<vmem>>) semaphore(%arg9 : memref<!tpu.dma_semaphore, #tpu.memory_space<semaphore_mem>>)
    %scan3A = arith.constant 0 : i32
    %scan3A_88 = arith.constant 40 : i32
    %scan3A_89 = arith.addi %scan3A, %scan3A_88 : i32
    %scan3A_90 = arith.constant 1 : i32
    scf.for %scan3A_106 = %scan3A to %scan3A_89 step %scan3A_90  : i32 {
      %mul3A_107 = arith.constant 2 : i32
      %mul3A_108 = arith.muli %scan3A_106, %mul3A_107 : i32
      %add3A_109 = arith.constant 0 : i32
      %add3A_110 = arith.addi %add3A_109, %mul3A_108 : i32
      %add3A_111 = arith.constant 0 : i32
      %add3A_112 = arith.addi %add3A_110, %add3A_111 : i32
      %ge3A = arith.constant 1 : i32
      %ge3A_113 = arith.cmpi sge, %add3A_112, %ge3A : i32
      %convert_element_type3A = arith.extui %ge3A_113 : i1 to i32
      %cond3A = arith.constant 0 : i32
      %cond3A_114 = arith.cmpi ne, %convert_element_type3A, %cond3A : i32
      scf.if %cond3A_114 {
        %sub3A = arith.constant 1 : i32
        %sub3A_183 = arith.subi %add3A_112, %sub3A : i32
        %mul3A_184 = arith.constant 320 : i32
        %mul3A_185 = arith.muli %sub3A_183, %mul3A_184 : i32
        %add3A_186 = arith.addi %mul3A_2, %mul3A_185 : i32
        %dma_wait3A_187 = arith.constant 1 : i32
        %dma_wait3A_188 = arith.constant 0 : i32
        %dma_wait3A_189 = arith.constant 0 : i32
        %dma_wait3A_190 = tpu.memref_slice %arg8[%dma_wait3A_187, %dma_wait3A_188, %dma_wait3A_189] : memref<2x320x128xf32, #tpu.memory_space<vmem>> -> memref<1x320x128xf32, #tpu.memory_space<vmem>>
        %dma_wait3A_191 = tpu.memref_squeeze %dma_wait3A_190 : memref<1x320x128xf32, #tpu.memory_space<vmem>> -> memref<320x128xf32, #tpu.memory_space<vmem>>
        %dma_wait3A_192 = arith.constant 0 : i32
        %dma_wait3A_193 = tpu.memref_slice %arg4[%add3A_186, %dma_wait3A_192] : memref<819200x128xf32, #tpu.memory_space<hbm>> -> memref<320x128xf32, #tpu.memory_space<hbm>>
        %dma_wait3A_194 = arith.constant 0 : i32
        %dma_wait3A_195 = tpu.memref_slice %arg4[%add3A_186, %dma_wait3A_194] : memref<819200x128xf32, #tpu.memory_space<hbm>> -> memref<320x128xf32, #tpu.memory_space<hbm>>
        %dma_wait3A_196 = arith.constant 0 : i32
        %dma_wait3A_197 = arith.constant 0 : i32
        %dma_wait3A_198 = tpu.memref_slice %arg8[%dma_wait3A_187, %dma_wait3A_196, %dma_wait3A_197] : memref<2x320x128xf32, #tpu.memory_space<vmem>> -> memref<1x320x128xf32, #tpu.memory_space<vmem>>
        %dma_wait3A_199 = tpu.memref_squeeze %dma_wait3A_198 : memref<1x320x128xf32, #tpu.memory_space<vmem>> -> memref<320x128xf32, #tpu.memory_space<vmem>>
        tpu.wait_dma2 semaphore(%arg12 : memref<!tpu.dma_semaphore, #tpu.memory_space<semaphore_mem>>) src(%dma_wait3A_199 : memref<320x128xf32, #tpu.memory_space<vmem>>) dst(%dma_wait3A_195 : memref<320x128xf32, #tpu.memory_space<hbm>>)
      } else {
      }
      %add3A_115 = arith.constant 1 : i32
      %add3A_116 = arith.addi %add3A_112, %add3A_115 : i32
      %lt3A = arith.constant 80 : i32
      %lt3A_117 = arith.cmpi slt, %add3A_116, %lt3A : i32
      %convert_element_type3A_118 = arith.extui %lt3A_117 : i1 to i32
      %cond3A_119 = arith.constant 0 : i32
      %cond3A_120 = arith.cmpi ne, %convert_element_type3A_118, %cond3A_119 : i32
      scf.if %cond3A_120 {
        %add3A_183 = arith.constant 1 : i32
        %add3A_184 = arith.addi %add3A_112, %add3A_183 : i32
        %mul3A_185 = arith.constant 320 : i32
        %mul3A_186 = arith.muli %add3A_184, %mul3A_185 : i32
        %add3A_187 = arith.constant 0 : i32
        %add3A_188 = arith.addi %mul3A_186, %add3A_187 : i32
        %get3A_189 = arith.index_cast %add3A_188 : i32 to index
        %get3A_190 = tpu.vector_load %arg5[%get3A_189] {strides = array<i32>} : memref<25600xi32, #tpu.memory_space<vmem>>, vector<16xi32>,
        %swap3A_191 = arith.constant 0 : index
        %swap3A_192 = tpu.vector_load %arg7[%swap3A_191] {strides = array<i32>} : memref<320xi32, #tpu.memory_space<vmem>>, vector<16xi32>,
        tpu.vector_store %arg7[%swap3A_191], %get3A_190 {strides = array<i32>} : memref<320xi32, #tpu.memory_space<vmem>>, vector<16xi32>,
        %mul3A_193 = arith.constant 320 : i32
        %mul3A_194 = arith.muli %add3A_184, %mul3A_193 : i32
        %add3A_195 = arith.constant 16 : i32
        %add3A_196 = arith.addi %mul3A_194, %add3A_195 : i32
        %get3A_197 = arith.index_cast %add3A_196 : i32 to index
        %get3A_198 = tpu.vector_load %arg5[%get3A_197] {strides = array<i32>} : memref<25600xi32, #tpu.memory_space<vmem>>, vector<16xi32>,
        %swap3A_199 = arith.constant 16 : index
        %swap3A_200 = tpu.vector_load %arg7[%swap3A_199] {strides = array<i32>} : memref<320xi32, #tpu.memory_space<vmem>>, vector<16xi32>,
        tpu.vector_store %arg7[%swap3A_199], %get3A_198 {strides = array<i32>} : memref<320xi32, #tpu.memory_space<vmem>>, vector<16xi32>,
        %mul3A_201 = arith.constant 320 : i32
        %mul3A_202 = arith.muli %add3A_184, %mul3A_201 : i32
        %add3A_203 = arith.constant 32 : i32
        %add3A_204 = arith.addi %mul3A_202, %add3A_203 : i32
        %get3A_205 = arith.index_cast %add3A_204 : i32 to index
        %get3A_206 = tpu.vector_load %arg5[%get3A_205] {strides = array<i32>} : memref<25600xi32, #tpu.memory_space<vmem>>, vector<16xi32>,
        %swap3A_207 = arith.constant 32 : index
        %swap3A_208 = tpu.vector_load %arg7[%swap3A_207] {strides = array<i32>} : memref<320xi32, #tpu.memory_space<vmem>>, vector<16xi32>,
        tpu.vector_store %arg7[%swap3A_207], %get3A_206 {strides = array<i32>} : memref<320xi32, #tpu.memory_space<vmem>>, vector<16xi32>,
        %mul3A_209 = arith.constant 320 : i32
        %mul3A_210 = arith.muli %add3A_184, %mul3A_209 : i32
        %add3A_211 = arith.constant 48 : i32
        %add3A_212 = arith.addi %mul3A_210, %add3A_211 : i32
        %get3A_213 = arith.index_cast %add3A_212 : i32 to index
        %get3A_214 = tpu.vector_load %arg5[%get3A_213] {strides = array<i32>} : memref<25600xi32, #tpu.memory_space<vmem>>, vector<16xi32>,
        %swap3A_215 = arith.constant 48 : index
        %swap3A_216 = tpu.vector_load %arg7[%swap3A_215] {strides = array<i32>} : memref<320xi32, #tpu.memory_space<vmem>>, vector<16xi32>,
        tpu.vector_store %arg7[%swap3A_215], %get3A_214 {strides = array<i32>} : memref<320xi32, #tpu.memory_space<vmem>>, vector<16xi32>,
        %mul3A_217 = arith.constant 320 : i32
        %mul3A_218 = arith.muli %add3A_184, %mul3A_217 : i32
        %add3A_219 = arith.constant 64 : i32
        %add3A_220 = arith.addi %mul3A_218, %add3A_219 : i32
        %get3A_221 = arith.index_cast %add3A_220 : i32 to index
        %get3A_222 = tpu.vector_load %arg5[%get3A_221] {strides = array<i32>} : memref<25600xi32, #tpu.memory_space<vmem>>, vector<16xi32>,
        %swap3A_223 = arith.constant 64 : index
        %swap3A_224 = tpu.vector_load %arg7[%swap3A_223] {strides = array<i32>} : memref<320xi32, #tpu.memory_space<vmem>>, vector<16xi32>,
        tpu.vector_store %arg7[%swap3A_223], %get3A_222 {strides = array<i32>} : memref<320xi32, #tpu.memory_space<vmem>>, vector<16xi32>,
        %mul3A_225 = arith.constant 320 : i32
        %mul3A_226 = arith.muli %add3A_184, %mul3A_225 : i32
        %add3A_227 = arith.constant 80 : i32
        %add3A_228 = arith.addi %mul3A_226, %add3A_227 : i32
        %get3A_229 = arith.index_cast %add3A_228 : i32 to index
        %get3A_230 = tpu.vector_load %arg5[%get3A_229] {strides = array<i32>} : memref<25600xi32, #tpu.memory_space<vmem>>, vector<16xi32>,
        %swap3A_231 = arith.constant 80 : index
        %swap3A_232 = tpu.vector_load %arg7[%swap3A_231] {strides = array<i32>} : memref<320xi32, #tpu.memory_space<vmem>>, vector<16xi32>,
        tpu.vector_store %arg7[%swap3A_231], %get3A_230 {strides = array<i32>} : memref<320xi32, #tpu.memory_space<vmem>>, vector<16xi32>,
        %mul3A_233 = arith.constant 320 : i32
        %mul3A_234 = arith.muli %add3A_184, %mul3A_233 : i32
        %add3A_235 = arith.constant 96 : i32
        %add3A_236 = arith.addi %mul3A_234, %add3A_235 : i32
        %get3A_237 = arith.index_cast %add3A_236 : i32 to index
        %get3A_238 = tpu.vector_load %arg5[%get3A_237] {strides = array<i32>} : memref<25600xi32, #tpu.memory_space<vmem>>, vector<16xi32>,
        %swap3A_239 = arith.constant 96 : index
        %swap3A_240 = tpu.vector_load %arg7[%swap3A_239] {strides = array<i32>} : memref<320xi32, #tpu.memory_space<vmem>>, vector<16xi32>,
        tpu.vector_store %arg7[%swap3A_239], %get3A_238 {strides = array<i32>} : memref<320xi32, #tpu.memory_space<vmem>>, vector<16xi32>,
        %mul3A_241 = arith.constant 320 : i32
        %mul3A_242 = arith.muli %add3A_184, %mul3A_241 : i32
        %add3A_243 = arith.constant 112 : i32
        %add3A_244 = arith.addi %mul3A_242, %add3A_243 : i32
        %get3A_245 = arith.index_cast %add3A_244 : i32 to index
        %get3A_246 = tpu.vector_load %arg5[%get3A_245] {strides = array<i32>} : memref<25600xi32, #tpu.memory_space<vmem>>, vector<16xi32>,
        %swap3A_247 = arith.constant 112 : index
        %swap3A_248 = tpu.vector_load %arg7[%swap3A_247] {strides = array<i32>} : memref<320xi32, #tpu.memory_space<vmem>>, vector<16xi32>,
        tpu.vector_store %arg7[%swap3A_247], %get3A_246 {strides = array<i32>} : memref<320xi32, #tpu.memory_space<vmem>>, vector<16xi32>,
        %mul3A_249 = arith.constant 320 : i32
        %mul3A_250 = arith.muli %add3A_184, %mul3A_249 : i32
        %add3A_251 = arith.constant 128 : i32
        %add3A_252 = arith.addi %mul3A_250, %add3A_251 : i32
        %get3A_253 = arith.index_cast %add3A_252 : i32 to index
        %get3A_254 = tpu.vector_load %arg5[%get3A_253] {strides = array<i32>} : memref<25600xi32, #tpu.memory_space<vmem>>, vector<16xi32>,
        %swap3A_255 = arith.constant 128 : index
        %swap3A_256 = tpu.vector_load %arg7[%swap3A_255] {strides = array<i32>} : memref<320xi32, #tpu.memory_space<vmem>>, vector<16xi32>,
        tpu.vector_store %arg7[%swap3A_255], %get3A_254 {strides = array<i32>} : memref<320xi32, #tpu.memory_space<vmem>>, vector<16xi32>,
        %mul3A_257 = arith.constant 320 : i32
        %mul3A_258 = arith.muli %add3A_184, %mul3A_257 : i32
        %add3A_259 = arith.constant 144 : i32
        %add3A_260 = arith.addi %mul3A_258, %add3A_259 : i32
        %get3A_261 = arith.index_cast %add3A_260 : i32 to index
        %get3A_262 = tpu.vector_load %arg5[%get3A_261] {strides = array<i32>} : memref<25600xi32, #tpu.memory_space<vmem>>, vector<16xi32>,
        %swap3A_263 = arith.constant 144 : index
        %swap3A_264 = tpu.vector_load %arg7[%swap3A_263] {strides = array<i32>} : memref<320xi32, #tpu.memory_space<vmem>>, vector<16xi32>,
        tpu.vector_store %arg7[%swap3A_263], %get3A_262 {strides = array<i32>} : memref<320xi32, #tpu.memory_space<vmem>>, vector<16xi32>,
        %mul3A_265 = arith.constant 320 : i32
        %mul3A_266 = arith.muli %add3A_184, %mul3A_265 : i32
        %add3A_267 = arith.constant 160 : i32
        %add3A_268 = arith.addi %mul3A_266, %add3A_267 : i32
        %get3A_269 = arith.index_cast %add3A_268 : i32 to index
        %get3A_270 = tpu.vector_load %arg5[%get3A_269] {strides = array<i32>} : memref<25600xi32, #tpu.memory_space<vmem>>, vector<16xi32>,
        %swap3A_271 = arith.constant 160 : index
        %swap3A_272 = tpu.vector_load %arg7[%swap3A_271] {strides = array<i32>} : memref<320xi32, #tpu.memory_space<vmem>>, vector<16xi32>,
        tpu.vector_store %arg7[%swap3A_271], %get3A_270 {strides = array<i32>} : memref<320xi32, #tpu.memory_space<vmem>>, vector<16xi32>,
        %mul3A_273 = arith.constant 320 : i32
        %mul3A_274 = arith.muli %add3A_184, %mul3A_273 : i32
        %add3A_275 = arith.constant 176 : i32
        %add3A_276 = arith.addi %mul3A_274, %add3A_275 : i32
        %get3A_277 = arith.index_cast %add3A_276 : i32 to index
        %get3A_278 = tpu.vector_load %arg5[%get3A_277] {strides = array<i32>} : memref<25600xi32, #tpu.memory_space<vmem>>, vector<16xi32>,
        %swap3A_279 = arith.constant 176 : index
        %swap3A_280 = tpu.vector_load %arg7[%swap3A_279] {strides = array<i32>} : memref<320xi32, #tpu.memory_space<vmem>>, vector<16xi32>,
        tpu.vector_store %arg7[%swap3A_279], %get3A_278 {strides = array<i32>} : memref<320xi32, #tpu.memory_space<vmem>>, vector<16xi32>,
        %mul3A_281 = arith.constant 320 : i32
        %mul3A_282 = arith.muli %add3A_184, %mul3A_281 : i32
        %add3A_283 = arith.constant 192 : i32
        %add3A_284 = arith.addi %mul3A_282, %add3A_283 : i32
        %get3A_285 = arith.index_cast %add3A_284 : i32 to index
        %get3A_286 = tpu.vector_load %arg5[%get3A_285] {strides = array<i32>} : memref<25600xi32, #tpu.memory_space<vmem>>, vector<16xi32>,
        %swap3A_287 = arith.constant 192 : index
        %swap3A_288 = tpu.vector_load %arg7[%swap3A_287] {strides = array<i32>} : memref<320xi32, #tpu.memory_space<vmem>>, vector<16xi32>,
        tpu.vector_store %arg7[%swap3A_287], %get3A_286 {strides = array<i32>} : memref<320xi32, #tpu.memory_space<vmem>>, vector<16xi32>,
        %mul3A_289 = arith.constant 320 : i32
        %mul3A_290 = arith.muli %add3A_184, %mul3A_289 : i32
        %add3A_291 = arith.constant 208 : i32
        %add3A_292 = arith.addi %mul3A_290, %add3A_291 : i32
        %get3A_293 = arith.index_cast %add3A_292 : i32 to index
        %get3A_294 = tpu.vector_load %arg5[%get3A_293] {strides = array<i32>} : memref<25600xi32, #tpu.memory_space<vmem>>, vector<16xi32>,
        %swap3A_295 = arith.constant 208 : index
        %swap3A_296 = tpu.vector_load %arg7[%swap3A_295] {strides = array<i32>} : memref<320xi32, #tpu.memory_space<vmem>>, vector<16xi32>,
        tpu.vector_store %arg7[%swap3A_295], %get3A_294 {strides = array<i32>} : memref<320xi32, #tpu.memory_space<vmem>>, vector<16xi32>,
        %mul3A_297 = arith.constant 320 : i32
        %mul3A_298 = arith.muli %add3A_184, %mul3A_297 : i32
        %add3A_299 = arith.constant 224 : i32
        %add3A_300 = arith.addi %mul3A_298, %add3A_299 : i32
        %get3A_301 = arith.index_cast %add3A_300 : i32 to index
        %get3A_302 = tpu.vector_load %arg5[%get3A_301] {strides = array<i32>} : memref<25600xi32, #tpu.memory_space<vmem>>, vector<16xi32>,
        %swap3A_303 = arith.constant 224 : index
        %swap3A_304 = tpu.vector_load %arg7[%swap3A_303] {strides = array<i32>} : memref<320xi32, #tpu.memory_space<vmem>>, vector<16xi32>,
        tpu.vector_store %arg7[%swap3A_303], %get3A_302 {strides = array<i32>} : memref<320xi32, #tpu.memory_space<vmem>>, vector<16xi32>,
        %mul3A_305 = arith.constant 320 : i32
        %mul3A_306 = arith.muli %add3A_184, %mul3A_305 : i32
        %add3A_307 = arith.constant 240 : i32
        %add3A_308 = arith.addi %mul3A_306, %add3A_307 : i32
        %get3A_309 = arith.index_cast %add3A_308 : i32 to index
        %get3A_310 = tpu.vector_load %arg5[%get3A_309] {strides = array<i32>} : memref<25600xi32, #tpu.memory_space<vmem>>, vector<16xi32>,
        %swap3A_311 = arith.constant 240 : index
        %swap3A_312 = tpu.vector_load %arg7[%swap3A_311] {strides = array<i32>} : memref<320xi32, #tpu.memory_space<vmem>>, vector<16xi32>,
        tpu.vector_store %arg7[%swap3A_311], %get3A_310 {strides = array<i32>} : memref<320xi32, #tpu.memory_space<vmem>>, vector<16xi32>,
        %mul3A_313 = arith.constant 320 : i32
        %mul3A_314 = arith.muli %add3A_184, %mul3A_313 : i32
        %add3A_315 = arith.constant 256 : i32
        %add3A_316 = arith.addi %mul3A_314, %add3A_315 : i32
        %get3A_317 = arith.index_cast %add3A_316 : i32 to index
        %get3A_318 = tpu.vector_load %arg5[%get3A_317] {strides = array<i32>} : memref<25600xi32, #tpu.memory_space<vmem>>, vector<16xi32>,
        %swap3A_319 = arith.constant 256 : index
        %swap3A_320 = tpu.vector_load %arg7[%swap3A_319] {strides = array<i32>} : memref<320xi32, #tpu.memory_space<vmem>>, vector<16xi32>,
        tpu.vector_store %arg7[%swap3A_319], %get3A_318 {strides = array<i32>} : memref<320xi32, #tpu.memory_space<vmem>>, vector<16xi32>,
        %mul3A_321 = arith.constant 320 : i32
        %mul3A_322 = arith.muli %add3A_184, %mul3A_321 : i32
        %add3A_323 = arith.constant 272 : i32
        %add3A_324 = arith.addi %mul3A_322, %add3A_323 : i32
        %get3A_325 = arith.index_cast %add3A_324 : i32 to index
        %get3A_326 = tpu.vector_load %arg5[%get3A_325] {strides = array<i32>} : memref<25600xi32, #tpu.memory_space<vmem>>, vector<16xi32>,
        %swap3A_327 = arith.constant 272 : index
        %swap3A_328 = tpu.vector_load %arg7[%swap3A_327] {strides = array<i32>} : memref<320xi32, #tpu.memory_space<vmem>>, vector<16xi32>,
        tpu.vector_store %arg7[%swap3A_327], %get3A_326 {strides = array<i32>} : memref<320xi32, #tpu.memory_space<vmem>>, vector<16xi32>,
        %mul3A_329 = arith.constant 320 : i32
        %mul3A_330 = arith.muli %add3A_184, %mul3A_329 : i32
        %add3A_331 = arith.constant 288 : i32
        %add3A_332 = arith.addi %mul3A_330, %add3A_331 : i32
        %get3A_333 = arith.index_cast %add3A_332 : i32 to index
        %get3A_334 = tpu.vector_load %arg5[%get3A_333] {strides = array<i32>} : memref<25600xi32, #tpu.memory_space<vmem>>, vector<16xi32>,
        %swap3A_335 = arith.constant 288 : index
        %swap3A_336 = tpu.vector_load %arg7[%swap3A_335] {strides = array<i32>} : memref<320xi32, #tpu.memory_space<vmem>>, vector<16xi32>,
        tpu.vector_store %arg7[%swap3A_335], %get3A_334 {strides = array<i32>} : memref<320xi32, #tpu.memory_space<vmem>>, vector<16xi32>,
        %mul3A_337 = arith.constant 320 : i32
        %mul3A_338 = arith.muli %add3A_184, %mul3A_337 : i32
        %add3A_339 = arith.constant 304 : i32
        %add3A_340 = arith.addi %mul3A_338, %add3A_339 : i32
        %get3A_341 = arith.index_cast %add3A_340 : i32 to index
        %get3A_342 = tpu.vector_load %arg5[%get3A_341] {strides = array<i32>} : memref<25600xi32, #tpu.memory_space<vmem>>, vector<16xi32>,
        %swap3A_343 = arith.constant 304 : index
        %swap3A_344 = tpu.vector_load %arg7[%swap3A_343] {strides = array<i32>} : memref<320xi32, #tpu.memory_space<vmem>>, vector<16xi32>,
        tpu.vector_store %arg7[%swap3A_343], %get3A_342 {strides = array<i32>} : memref<320xi32, #tpu.memory_space<vmem>>, vector<16xi32>,
        %dma_start3A_345 = arith.constant 1 : i32
        %dma_start3A_346 = arith.constant 0 : i32
        %dma_start3A_347 = arith.constant 0 : i32
        %dma_start3A_348 = tpu.memref_slice %arg8[%dma_start3A_345, %dma_start3A_346, %dma_start3A_347] : memref<2x320x128xf32, #tpu.memory_space<vmem>> -> memref<1x320x128xf32, #tpu.memory_space<vmem>>
        %dma_start3A_349 = tpu.memref_squeeze %dma_start3A_348 : memref<1x320x128xf32, #tpu.memory_space<vmem>> -> memref<320x128xf32, #tpu.memory_space<vmem>>
        %dma_start3A_350 = arith.constant 0 : i32
        %dma_start3A_351 = arith.constant 0 : i32
        %dma_start3A_352 = tpu.memref_slice %arg3[%dma_start3A_350, %dma_start3A_351] : memref<1000000x128xf32, #tpu.memory_space<hbm>> -> memref<1000000x128xf32, #tpu.memory_space<hbm>>
        tpu.enqueue_indirect_dma source(%dma_start3A_352 : memref<1000000x128xf32, #tpu.memory_space<hbm>>) target(%dma_start3A_349 : memref<320x128xf32, #tpu.memory_space<vmem>>) offsets(%arg7 : memref<320xi32, #tpu.memory_space<vmem>>) semaphore(%arg10 : memref<!tpu.dma_semaphore, #tpu.memory_space<semaphore_mem>>)
      } else {
      }
      %dma_wait3A_121 = arith.constant 0 : i32
      %dma_wait3A_122 = arith.constant 0 : i32
      %dma_wait3A_123 = arith.constant 0 : i32
      %dma_wait3A_124 = tpu.memref_slice %arg8[%dma_wait3A_121, %dma_wait3A_122, %dma_wait3A_123] : memref<2x320x128xf32, #tpu.memory_space<vmem>> -> memref<1x320x128xf32, #tpu.memory_space<vmem>>
      %dma_wait3A_125 = tpu.memref_squeeze %dma_wait3A_124 : memref<1x320x128xf32, #tpu.memory_space<vmem>> -> memref<320x128xf32, #tpu.memory_space<vmem>>
      %dma_wait3A_126 = arith.constant 0 : i32
      %dma_wait3A_127 = arith.constant 0 : i32
      %dma_wait3A_128 = tpu.memref_slice %arg3[%dma_wait3A_126, %dma_wait3A_127] : memref<1000000x128xf32, #tpu.memory_space<hbm>> -> memref<1000000x128xf32, #tpu.memory_space<hbm>>
      tpu.wait_indirect_dma semaphore(%arg9 : memref<!tpu.dma_semaphore, #tpu.memory_space<semaphore_mem>>) src(%dma_wait3A_128 : memref<1000000x128xf32, #tpu.memory_space<hbm>>) dst(%dma_wait3A_125 : memref<320x128xf32, #tpu.memory_space<vmem>>)
      %mul3A_129 = arith.constant 320 : i32
      %mul3A_130 = arith.muli %add3A_112, %mul3A_129 : i32
      %add3A_131 = arith.addi %mul3A_2, %mul3A_130 : i32
      %dma_start3A_132 = arith.constant 0 : i32
      %dma_start3A_133 = arith.constant 0 : i32
      %dma_start3A_134 = arith.constant 0 : i32
      %dma_start3A_135 = tpu.memref_slice %arg8[%dma_start3A_132, %dma_start3A_133, %dma_start3A_134] : memref<2x320x128xf32, #tpu.memory_space<vmem>> -> memref<1x320x128xf32, #tpu.memory_space<vmem>>
      %dma_start3A_136 = tpu.memref_squeeze %dma_start3A_135 : memref<1x320x128xf32, #tpu.memory_space<vmem>> -> memref<320x128xf32, #tpu.memory_space<vmem>>
      %dma_start3A_137 = arith.constant 0 : i32
      %dma_start3A_138 = tpu.memref_slice %arg4[%add3A_131, %dma_start3A_137] : memref<819200x128xf32, #tpu.memory_space<hbm>> -> memref<320x128xf32, #tpu.memory_space<hbm>>
      %dma_start3A_139 = arith.constant 0 : i32
      %dma_start3A_140 = tpu.memref_slice %arg4[%add3A_131, %dma_start3A_139] : memref<819200x128xf32, #tpu.memory_space<hbm>> -> memref<320x128xf32, #tpu.memory_space<hbm>>
      %dma_start3A_141 = arith.constant 0 : i32
      %dma_start3A_142 = arith.constant 0 : i32
      %dma_start3A_143 = tpu.memref_slice %arg8[%dma_start3A_132, %dma_start3A_141, %dma_start3A_142] : memref<2x320x128xf32, #tpu.memory_space<vmem>> -> memref<1x320x128xf32, #tpu.memory_space<vmem>>
      %dma_start3A_144 = tpu.memref_squeeze %dma_start3A_143 : memref<1x320x128xf32, #tpu.memory_space<vmem>> -> memref<320x128xf32, #tpu.memory_space<vmem>>
      tpu.enqueue_dma source(%dma_start3A_144 : memref<320x128xf32, #tpu.memory_space<vmem>>) target(%dma_start3A_140 : memref<320x128xf32, #tpu.memory_space<hbm>>) target_semaphore(%arg11 : memref<!tpu.dma_semaphore, #tpu.memory_space<semaphore_mem>>)
      %add3A_145 = arith.constant 1 : i32
      %add3A_146 = arith.addi %add3A_110, %add3A_145 : i32
      %ge3A_147 = arith.constant 1 : i32
      %ge3A_148 = arith.cmpi sge, %add3A_146, %ge3A_147 : i32
      %convert_element_type3A_149 = arith.extui %ge3A_148 : i1 to i32
      %cond3A_150 = arith.constant 0 : i32
      %cond3A_151 = arith.cmpi ne, %convert_element_type3A_149, %cond3A_150 : i32
      scf.if %cond3A_151 {
        %sub3A = arith.constant 1 : i32
        %sub3A_183 = arith.subi %add3A_146, %sub3A : i32
        %mul3A_184 = arith.constant 320 : i32
        %mul3A_185 = arith.muli %sub3A_183, %mul3A_184 : i32
        %add3A_186 = arith.addi %mul3A_2, %mul3A_185 : i32
        %dma_wait3A_187 = arith.constant 0 : i32
        %dma_wait3A_188 = arith.constant 0 : i32
        %dma_wait3A_189 = arith.constant 0 : i32
        %dma_wait3A_190 = tpu.memref_slice %arg8[%dma_wait3A_187, %dma_wait3A_188, %dma_wait3A_189] : memref<2x320x128xf32, #tpu.memory_space<vmem>> -> memref<1x320x128xf32, #tpu.memory_space<vmem>>
        %dma_wait3A_191 = tpu.memref_squeeze %dma_wait3A_190 : memref<1x320x128xf32, #tpu.memory_space<vmem>> -> memref<320x128xf32, #tpu.memory_space<vmem>>
        %dma_wait3A_192 = arith.constant 0 : i32
        %dma_wait3A_193 = tpu.memref_slice %arg4[%add3A_186, %dma_wait3A_192] : memref<819200x128xf32, #tpu.memory_space<hbm>> -> memref<320x128xf32, #tpu.memory_space<hbm>>
        %dma_wait3A_194 = arith.constant 0 : i32
        %dma_wait3A_195 = tpu.memref_slice %arg4[%add3A_186, %dma_wait3A_194] : memref<819200x128xf32, #tpu.memory_space<hbm>> -> memref<320x128xf32, #tpu.memory_space<hbm>>
        %dma_wait3A_196 = arith.constant 0 : i32
        %dma_wait3A_197 = arith.constant 0 : i32
        %dma_wait3A_198 = tpu.memref_slice %arg8[%dma_wait3A_187, %dma_wait3A_196, %dma_wait3A_197] : memref<2x320x128xf32, #tpu.memory_space<vmem>> -> memref<1x320x128xf32, #tpu.memory_space<vmem>>
        %dma_wait3A_199 = tpu.memref_squeeze %dma_wait3A_198 : memref<1x320x128xf32, #tpu.memory_space<vmem>> -> memref<320x128xf32, #tpu.memory_space<vmem>>
        tpu.wait_dma2 semaphore(%arg11 : memref<!tpu.dma_semaphore, #tpu.memory_space<semaphore_mem>>) src(%dma_wait3A_199 : memref<320x128xf32, #tpu.memory_space<vmem>>) dst(%dma_wait3A_195 : memref<320x128xf32, #tpu.memory_space<hbm>>)
      } else {
      }
      %add3A_152 = arith.constant 1 : i32
      %add3A_153 = arith.addi %add3A_146, %add3A_152 : i32
      %lt3A_154 = arith.constant 80 : i32
      %lt3A_155 = arith.cmpi slt, %add3A_153, %lt3A_154 : i32
      %convert_element_type3A_156 = arith.extui %lt3A_155 : i1 to i32
      %cond3A_157 = arith.constant 0 : i32
      %cond3A_158 = arith.cmpi ne, %convert_element_type3A_156, %cond3A_157 : i32
      scf.if %cond3A_158 {
        %add3A_183 = arith.constant 1 : i32
        %add3A_184 = arith.addi %add3A_146, %add3A_183 : i32
        %mul3A_185 = arith.constant 320 : i32
        %mul3A_186 = arith.muli %add3A_184, %mul3A_185 : i32
        %add3A_187 = arith.constant 0 : i32
        %add3A_188 = arith.addi %mul3A_186, %add3A_187 : i32
        %get3A_189 = arith.index_cast %add3A_188 : i32 to index
        %get3A_190 = tpu.vector_load %arg5[%get3A_189] {strides = array<i32>} : memref<25600xi32, #tpu.memory_space<vmem>>, vector<16xi32>,
        %swap3A_191 = arith.constant 0 : index
        %swap3A_192 = tpu.vector_load %arg6[%swap3A_191] {strides = array<i32>} : memref<320xi32, #tpu.memory_space<vmem>>, vector<16xi32>,
        tpu.vector_store %arg6[%swap3A_191], %get3A_190 {strides = array<i32>} : memref<320xi32, #tpu.memory_space<vmem>>, vector<16xi32>,
        %mul3A_193 = arith.constant 320 : i32
        %mul3A_194 = arith.muli %add3A_184, %mul3A_193 : i32
        %add3A_195 = arith.constant 16 : i32
        %add3A_196 = arith.addi %mul3A_194, %add3A_195 : i32
        %get3A_197 = arith.index_cast %add3A_196 : i32 to index
        %get3A_198 = tpu.vector_load %arg5[%get3A_197] {strides = array<i32>} : memref<25600xi32, #tpu.memory_space<vmem>>, vector<16xi32>,
        %swap3A_199 = arith.constant 16 : index
        %swap3A_200 = tpu.vector_load %arg6[%swap3A_199] {strides = array<i32>} : memref<320xi32, #tpu.memory_space<vmem>>, vector<16xi32>,
        tpu.vector_store %arg6[%swap3A_199], %get3A_198 {strides = array<i32>} : memref<320xi32, #tpu.memory_space<vmem>>, vector<16xi32>,
        %mul3A_201 = arith.constant 320 : i32
        %mul3A_202 = arith.muli %add3A_184, %mul3A_201 : i32
        %add3A_203 = arith.constant 32 : i32
        %add3A_204 = arith.addi %mul3A_202, %add3A_203 : i32
        %get3A_205 = arith.index_cast %add3A_204 : i32 to index
        %get3A_206 = tpu.vector_load %arg5[%get3A_205] {strides = array<i32>} : memref<25600xi32, #tpu.memory_space<vmem>>, vector<16xi32>,
        %swap3A_207 = arith.constant 32 : index
        %swap3A_208 = tpu.vector_load %arg6[%swap3A_207] {strides = array<i32>} : memref<320xi32, #tpu.memory_space<vmem>>, vector<16xi32>,
        tpu.vector_store %arg6[%swap3A_207], %get3A_206 {strides = array<i32>} : memref<320xi32, #tpu.memory_space<vmem>>, vector<16xi32>,
        %mul3A_209 = arith.constant 320 : i32
        %mul3A_210 = arith.muli %add3A_184, %mul3A_209 : i32
        %add3A_211 = arith.constant 48 : i32
        %add3A_212 = arith.addi %mul3A_210, %add3A_211 : i32
        %get3A_213 = arith.index_cast %add3A_212 : i32 to index
        %get3A_214 = tpu.vector_load %arg5[%get3A_213] {strides = array<i32>} : memref<25600xi32, #tpu.memory_space<vmem>>, vector<16xi32>,
        %swap3A_215 = arith.constant 48 : index
        %swap3A_216 = tpu.vector_load %arg6[%swap3A_215] {strides = array<i32>} : memref<320xi32, #tpu.memory_space<vmem>>, vector<16xi32>,
        tpu.vector_store %arg6[%swap3A_215], %get3A_214 {strides = array<i32>} : memref<320xi32, #tpu.memory_space<vmem>>, vector<16xi32>,
        %mul3A_217 = arith.constant 320 : i32
        %mul3A_218 = arith.muli %add3A_184, %mul3A_217 : i32
        %add3A_219 = arith.constant 64 : i32
        %add3A_220 = arith.addi %mul3A_218, %add3A_219 : i32
        %get3A_221 = arith.index_cast %add3A_220 : i32 to index
        %get3A_222 = tpu.vector_load %arg5[%get3A_221] {strides = array<i32>} : memref<25600xi32, #tpu.memory_space<vmem>>, vector<16xi32>,
        %swap3A_223 = arith.constant 64 : index
        %swap3A_224 = tpu.vector_load %arg6[%swap3A_223] {strides = array<i32>} : memref<320xi32, #tpu.memory_space<vmem>>, vector<16xi32>,
        tpu.vector_store %arg6[%swap3A_223], %get3A_222 {strides = array<i32>} : memref<320xi32, #tpu.memory_space<vmem>>, vector<16xi32>,
        %mul3A_225 = arith.constant 320 : i32
        %mul3A_226 = arith.muli %add3A_184, %mul3A_225 : i32
        %add3A_227 = arith.constant 80 : i32
        %add3A_228 = arith.addi %mul3A_226, %add3A_227 : i32
        %get3A_229 = arith.index_cast %add3A_228 : i32 to index
        %get3A_230 = tpu.vector_load %arg5[%get3A_229] {strides = array<i32>} : memref<25600xi32, #tpu.memory_space<vmem>>, vector<16xi32>,
        %swap3A_231 = arith.constant 80 : index
        %swap3A_232 = tpu.vector_load %arg6[%swap3A_231] {strides = array<i32>} : memref<320xi32, #tpu.memory_space<vmem>>, vector<16xi32>,
        tpu.vector_store %arg6[%swap3A_231], %get3A_230 {strides = array<i32>} : memref<320xi32, #tpu.memory_space<vmem>>, vector<16xi32>,
        %mul3A_233 = arith.constant 320 : i32
        %mul3A_234 = arith.muli %add3A_184, %mul3A_233 : i32
        %add3A_235 = arith.constant 96 : i32
        %add3A_236 = arith.addi %mul3A_234, %add3A_235 : i32
        %get3A_237 = arith.index_cast %add3A_236 : i32 to index
        %get3A_238 = tpu.vector_load %arg5[%get3A_237] {strides = array<i32>} : memref<25600xi32, #tpu.memory_space<vmem>>, vector<16xi32>,
        %swap3A_239 = arith.constant 96 : index
        %swap3A_240 = tpu.vector_load %arg6[%swap3A_239] {strides = array<i32>} : memref<320xi32, #tpu.memory_space<vmem>>, vector<16xi32>,
        tpu.vector_store %arg6[%swap3A_239], %get3A_238 {strides = array<i32>} : memref<320xi32, #tpu.memory_space<vmem>>, vector<16xi32>,
        %mul3A_241 = arith.constant 320 : i32
        %mul3A_242 = arith.muli %add3A_184, %mul3A_241 : i32
        %add3A_243 = arith.constant 112 : i32
        %add3A_244 = arith.addi %mul3A_242, %add3A_243 : i32
        %get3A_245 = arith.index_cast %add3A_244 : i32 to index
        %get3A_246 = tpu.vector_load %arg5[%get3A_245] {strides = array<i32>} : memref<25600xi32, #tpu.memory_space<vmem>>, vector<16xi32>,
        %swap3A_247 = arith.constant 112 : index
        %swap3A_248 = tpu.vector_load %arg6[%swap3A_247] {strides = array<i32>} : memref<320xi32, #tpu.memory_space<vmem>>, vector<16xi32>,
        tpu.vector_store %arg6[%swap3A_247], %get3A_246 {strides = array<i32>} : memref<320xi32, #tpu.memory_space<vmem>>, vector<16xi32>,
        %mul3A_249 = arith.constant 320 : i32
        %mul3A_250 = arith.muli %add3A_184, %mul3A_249 : i32
        %add3A_251 = arith.constant 128 : i32
        %add3A_252 = arith.addi %mul3A_250, %add3A_251 : i32
        %get3A_253 = arith.index_cast %add3A_252 : i32 to index
        %get3A_254 = tpu.vector_load %arg5[%get3A_253] {strides = array<i32>} : memref<25600xi32, #tpu.memory_space<vmem>>, vector<16xi32>,
        %swap3A_255 = arith.constant 128 : index
        %swap3A_256 = tpu.vector_load %arg6[%swap3A_255] {strides = array<i32>} : memref<320xi32, #tpu.memory_space<vmem>>, vector<16xi32>,
        tpu.vector_store %arg6[%swap3A_255], %get3A_254 {strides = array<i32>} : memref<320xi32, #tpu.memory_space<vmem>>, vector<16xi32>,
        %mul3A_257 = arith.constant 320 : i32
        %mul3A_258 = arith.muli %add3A_184, %mul3A_257 : i32
        %add3A_259 = arith.constant 144 : i32
        %add3A_260 = arith.addi %mul3A_258, %add3A_259 : i32
        %get3A_261 = arith.index_cast %add3A_260 : i32 to index
        %get3A_262 = tpu.vector_load %arg5[%get3A_261] {strides = array<i32>} : memref<25600xi32, #tpu.memory_space<vmem>>, vector<16xi32>,
        %swap3A_263 = arith.constant 144 : index
        %swap3A_264 = tpu.vector_load %arg6[%swap3A_263] {strides = array<i32>} : memref<320xi32, #tpu.memory_space<vmem>>, vector<16xi32>,
        tpu.vector_store %arg6[%swap3A_263], %get3A_262 {strides = array<i32>} : memref<320xi32, #tpu.memory_space<vmem>>, vector<16xi32>,
        %mul3A_265 = arith.constant 320 : i32
        %mul3A_266 = arith.muli %add3A_184, %mul3A_265 : i32
        %add3A_267 = arith.constant 160 : i32
        %add3A_268 = arith.addi %mul3A_266, %add3A_267 : i32
        %get3A_269 = arith.index_cast %add3A_268 : i32 to index
        %get3A_270 = tpu.vector_load %arg5[%get3A_269] {strides = array<i32>} : memref<25600xi32, #tpu.memory_space<vmem>>, vector<16xi32>,
        %swap3A_271 = arith.constant 160 : index
        %swap3A_272 = tpu.vector_load %arg6[%swap3A_271] {strides = array<i32>} : memref<320xi32, #tpu.memory_space<vmem>>, vector<16xi32>,
        tpu.vector_store %arg6[%swap3A_271], %get3A_270 {strides = array<i32>} : memref<320xi32, #tpu.memory_space<vmem>>, vector<16xi32>,
        %mul3A_273 = arith.constant 320 : i32
        %mul3A_274 = arith.muli %add3A_184, %mul3A_273 : i32
        %add3A_275 = arith.constant 176 : i32
        %add3A_276 = arith.addi %mul3A_274, %add3A_275 : i32
        %get3A_277 = arith.index_cast %add3A_276 : i32 to index
        %get3A_278 = tpu.vector_load %arg5[%get3A_277] {strides = array<i32>} : memref<25600xi32, #tpu.memory_space<vmem>>, vector<16xi32>,
        %swap3A_279 = arith.constant 176 : index
        %swap3A_280 = tpu.vector_load %arg6[%swap3A_279] {strides = array<i32>} : memref<320xi32, #tpu.memory_space<vmem>>, vector<16xi32>,
        tpu.vector_store %arg6[%swap3A_279], %get3A_278 {strides = array<i32>} : memref<320xi32, #tpu.memory_space<vmem>>, vector<16xi32>,
        %mul3A_281 = arith.constant 320 : i32
        %mul3A_282 = arith.muli %add3A_184, %mul3A_281 : i32
        %add3A_283 = arith.constant 192 : i32
        %add3A_284 = arith.addi %mul3A_282, %add3A_283 : i32
        %get3A_285 = arith.index_cast %add3A_284 : i32 to index
        %get3A_286 = tpu.vector_load %arg5[%get3A_285] {strides = array<i32>} : memref<25600xi32, #tpu.memory_space<vmem>>, vector<16xi32>,
        %swap3A_287 = arith.constant 192 : index
        %swap3A_288 = tpu.vector_load %arg6[%swap3A_287] {strides = array<i32>} : memref<320xi32, #tpu.memory_space<vmem>>, vector<16xi32>,
        tpu.vector_store %arg6[%swap3A_287], %get3A_286 {strides = array<i32>} : memref<320xi32, #tpu.memory_space<vmem>>, vector<16xi32>,
        %mul3A_289 = arith.constant 320 : i32
        %mul3A_290 = arith.muli %add3A_184, %mul3A_289 : i32
        %add3A_291 = arith.constant 208 : i32
        %add3A_292 = arith.addi %mul3A_290, %add3A_291 : i32
        %get3A_293 = arith.index_cast %add3A_292 : i32 to index
        %get3A_294 = tpu.vector_load %arg5[%get3A_293] {strides = array<i32>} : memref<25600xi32, #tpu.memory_space<vmem>>, vector<16xi32>,
        %swap3A_295 = arith.constant 208 : index
        %swap3A_296 = tpu.vector_load %arg6[%swap3A_295] {strides = array<i32>} : memref<320xi32, #tpu.memory_space<vmem>>, vector<16xi32>,
        tpu.vector_store %arg6[%swap3A_295], %get3A_294 {strides = array<i32>} : memref<320xi32, #tpu.memory_space<vmem>>, vector<16xi32>,
        %mul3A_297 = arith.constant 320 : i32
        %mul3A_298 = arith.muli %add3A_184, %mul3A_297 : i32
        %add3A_299 = arith.constant 224 : i32
        %add3A_300 = arith.addi %mul3A_298, %add3A_299 : i32
        %get3A_301 = arith.index_cast %add3A_300 : i32 to index
        %get3A_302 = tpu.vector_load %arg5[%get3A_301] {strides = array<i32>} : memref<25600xi32, #tpu.memory_space<vmem>>, vector<16xi32>,
        %swap3A_303 = arith.constant 224 : index
        %swap3A_304 = tpu.vector_load %arg6[%swap3A_303] {strides = array<i32>} : memref<320xi32, #tpu.memory_space<vmem>>, vector<16xi32>,
        tpu.vector_store %arg6[%swap3A_303], %get3A_302 {strides = array<i32>} : memref<320xi32, #tpu.memory_space<vmem>>, vector<16xi32>,
        %mul3A_305 = arith.constant 320 : i32
        %mul3A_306 = arith.muli %add3A_184, %mul3A_305 : i32
        %add3A_307 = arith.constant 240 : i32
        %add3A_308 = arith.addi %mul3A_306, %add3A_307 : i32
        %get3A_309 = arith.index_cast %add3A_308 : i32 to index
        %get3A_310 = tpu.vector_load %arg5[%get3A_309] {strides = array<i32>} : memref<25600xi32, #tpu.memory_space<vmem>>, vector<16xi32>,
        %swap3A_311 = arith.constant 240 : index
        %swap3A_312 = tpu.vector_load %arg6[%swap3A_311] {strides = array<i32>} : memref<320xi32, #tpu.memory_space<vmem>>, vector<16xi32>,
        tpu.vector_store %arg6[%swap3A_311], %get3A_310 {strides = array<i32>} : memref<320xi32, #tpu.memory_space<vmem>>, vector<16xi32>,
        %mul3A_313 = arith.constant 320 : i32
        %mul3A_314 = arith.muli %add3A_184, %mul3A_313 : i32
        %add3A_315 = arith.constant 256 : i32
        %add3A_316 = arith.addi %mul3A_314, %add3A_315 : i32
        %get3A_317 = arith.index_cast %add3A_316 : i32 to index
        %get3A_318 = tpu.vector_load %arg5[%get3A_317] {strides = array<i32>} : memref<25600xi32, #tpu.memory_space<vmem>>, vector<16xi32>,
        %swap3A_319 = arith.constant 256 : index
        %swap3A_320 = tpu.vector_load %arg6[%swap3A_319] {strides = array<i32>} : memref<320xi32, #tpu.memory_space<vmem>>, vector<16xi32>,
        tpu.vector_store %arg6[%swap3A_319], %get3A_318 {strides = array<i32>} : memref<320xi32, #tpu.memory_space<vmem>>, vector<16xi32>,
        %mul3A_321 = arith.constant 320 : i32
        %mul3A_322 = arith.muli %add3A_184, %mul3A_321 : i32
        %add3A_323 = arith.constant 272 : i32
        %add3A_324 = arith.addi %mul3A_322, %add3A_323 : i32
        %get3A_325 = arith.index_cast %add3A_324 : i32 to index
        %get3A_326 = tpu.vector_load %arg5[%get3A_325] {strides = array<i32>} : memref<25600xi32, #tpu.memory_space<vmem>>, vector<16xi32>,
        %swap3A_327 = arith.constant 272 : index
        %swap3A_328 = tpu.vector_load %arg6[%swap3A_327] {strides = array<i32>} : memref<320xi32, #tpu.memory_space<vmem>>, vector<16xi32>,
        tpu.vector_store %arg6[%swap3A_327], %get3A_326 {strides = array<i32>} : memref<320xi32, #tpu.memory_space<vmem>>, vector<16xi32>,
        %mul3A_329 = arith.constant 320 : i32
        %mul3A_330 = arith.muli %add3A_184, %mul3A_329 : i32
        %add3A_331 = arith.constant 288 : i32
        %add3A_332 = arith.addi %mul3A_330, %add3A_331 : i32
        %get3A_333 = arith.index_cast %add3A_332 : i32 to index
        %get3A_334 = tpu.vector_load %arg5[%get3A_333] {strides = array<i32>} : memref<25600xi32, #tpu.memory_space<vmem>>, vector<16xi32>,
        %swap3A_335 = arith.constant 288 : index
        %swap3A_336 = tpu.vector_load %arg6[%swap3A_335] {strides = array<i32>} : memref<320xi32, #tpu.memory_space<vmem>>, vector<16xi32>,
        tpu.vector_store %arg6[%swap3A_335], %get3A_334 {strides = array<i32>} : memref<320xi32, #tpu.memory_space<vmem>>, vector<16xi32>,
        %mul3A_337 = arith.constant 320 : i32
        %mul3A_338 = arith.muli %add3A_184, %mul3A_337 : i32
        %add3A_339 = arith.constant 304 : i32
        %add3A_340 = arith.addi %mul3A_338, %add3A_339 : i32
        %get3A_341 = arith.index_cast %add3A_340 : i32 to index
        %get3A_342 = tpu.vector_load %arg5[%get3A_341] {strides = array<i32>} : memref<25600xi32, #tpu.memory_space<vmem>>, vector<16xi32>,
        %swap3A_343 = arith.constant 304 : index
        %swap3A_344 = tpu.vector_load %arg6[%swap3A_343] {strides = array<i32>} : memref<320xi32, #tpu.memory_space<vmem>>, vector<16xi32>,
        tpu.vector_store %arg6[%swap3A_343], %get3A_342 {strides = array<i32>} : memref<320xi32, #tpu.memory_space<vmem>>, vector<16xi32>,
        %dma_start3A_345 = arith.constant 0 : i32
        %dma_start3A_346 = arith.constant 0 : i32
        %dma_start3A_347 = arith.constant 0 : i32
        %dma_start3A_348 = tpu.memref_slice %arg8[%dma_start3A_345, %dma_start3A_346, %dma_start3A_347] : memref<2x320x128xf32, #tpu.memory_space<vmem>> -> memref<1x320x128xf32, #tpu.memory_space<vmem>>
        %dma_start3A_349 = tpu.memref_squeeze %dma_start3A_348 : memref<1x320x128xf32, #tpu.memory_space<vmem>> -> memref<320x128xf32, #tpu.memory_space<vmem>>
        %dma_start3A_350 = arith.constant 0 : i32
        %dma_start3A_351 = arith.constant 0 : i32
        %dma_start3A_352 = tpu.memref_slice %arg3[%dma_start3A_350, %dma_start3A_351] : memref<1000000x128xf32, #tpu.memory_space<hbm>> -> memref<1000000x128xf32, #tpu.memory_space<hbm>>
        tpu.enqueue_indirect_dma source(%dma_start3A_352 : memref<1000000x128xf32, #tpu.memory_space<hbm>>) target(%dma_start3A_349 : memref<320x128xf32, #tpu.memory_space<vmem>>) offsets(%arg6 : memref<320xi32, #tpu.memory_space<vmem>>) semaphore(%arg9 : memref<!tpu.dma_semaphore, #tpu.memory_space<semaphore_mem>>)
      } else {
      }
      %dma_wait3A_159 = arith.constant 1 : i32
      %dma_wait3A_160 = arith.constant 0 : i32
      %dma_wait3A_161 = arith.constant 0 : i32
      %dma_wait3A_162 = tpu.memref_slice %arg8[%dma_wait3A_159, %dma_wait3A_160, %dma_wait3A_161] : memref<2x320x128xf32, #tpu.memory_space<vmem>> -> memref<1x320x128xf32, #tpu.memory_space<vmem>>
      %dma_wait3A_163 = tpu.memref_squeeze %dma_wait3A_162 : memref<1x320x128xf32, #tpu.memory_space<vmem>> -> memref<320x128xf32, #tpu.memory_space<vmem>>
      %dma_wait3A_164 = arith.constant 0 : i32
      %dma_wait3A_165 = arith.constant 0 : i32
      %dma_wait3A_166 = tpu.memref_slice %arg3[%dma_wait3A_164, %dma_wait3A_165] : memref<1000000x128xf32, #tpu.memory_space<hbm>> -> memref<1000000x128xf32, #tpu.memory_space<hbm>>
      tpu.wait_indirect_dma semaphore(%arg10 : memref<!tpu.dma_semaphore, #tpu.memory_space<semaphore_mem>>) src(%dma_wait3A_166 : memref<1000000x128xf32, #tpu.memory_space<hbm>>) dst(%dma_wait3A_163 : memref<320x128xf32, #tpu.memory_space<vmem>>)
      %mul3A_167 = arith.constant 320 : i32
      %mul3A_168 = arith.muli %add3A_146, %mul3A_167 : i32
      %add3A_169 = arith.addi %mul3A_2, %mul3A_168 : i32
      %dma_start3A_170 = arith.constant 1 : i32
      %dma_start3A_171 = arith.constant 0 : i32
      %dma_start3A_172 = arith.constant 0 : i32
      %dma_start3A_173 = tpu.memref_slice %arg8[%dma_start3A_170, %dma_start3A_171, %dma_start3A_172] : memref<2x320x128xf32, #tpu.memory_space<vmem>> -> memref<1x320x128xf32, #tpu.memory_space<vmem>>
      %dma_start3A_174 = tpu.memref_squeeze %dma_start3A_173 : memref<1x320x128xf32, #tpu.memory_space<vmem>> -> memref<320x128xf32, #tpu.memory_space<vmem>>
      %dma_start3A_175 = arith.constant 0 : i32
      %dma_start3A_176 = tpu.memref_slice %arg4[%add3A_169, %dma_start3A_175] : memref<819200x128xf32, #tpu.memory_space<hbm>> -> memref<320x128xf32, #tpu.memory_space<hbm>>
      %dma_start3A_177 = arith.constant 0 : i32
      %dma_start3A_178 = tpu.memref_slice %arg4[%add3A_169, %dma_start3A_177] : memref<819200x128xf32, #tpu.memory_space<hbm>> -> memref<320x128xf32, #tpu.memory_space<hbm>>
      %dma_start3A_179 = arith.constant 0 : i32
      %dma_start3A_180 = arith.constant 0 : i32
      %dma_start3A_181 = tpu.memref_slice %arg8[%dma_start3A_170, %dma_start3A_179, %dma_start3A_180] : memref<2x320x128xf32, #tpu.memory_space<vmem>> -> memref<1x320x128xf32, #tpu.memory_space<vmem>>
      %dma_start3A_182 = tpu.memref_squeeze %dma_start3A_181 : memref<1x320x128xf32, #tpu.memory_space<vmem>> -> memref<320x128xf32, #tpu.memory_space<vmem>>
      tpu.enqueue_dma source(%dma_start3A_182 : memref<320x128xf32, #tpu.memory_space<vmem>>) target(%dma_start3A_178 : memref<320x128xf32, #tpu.memory_space<hbm>>) target_semaphore(%arg12 : memref<!tpu.dma_semaphore, #tpu.memory_space<semaphore_mem>>)
    }
    %scan3A_91 = arith.constant 40 : i32
    %add3A_92 = arith.constant 25280 : i32
    %add3A_93 = arith.addi %mul3A_2, %add3A_92 : i32
    %dma_wait3A = arith.constant 1 : i32
    %dma_wait3A_94 = arith.constant 0 : i32
    %dma_wait3A_95 = arith.constant 0 : i32
    %dma_wait3A_96 = tpu.memref_slice %arg8[%dma_wait3A, %dma_wait3A_94, %dma_wait3A_95] : memref<2x320x128xf32, #tpu.memory_space<vmem>> -> memref<1x320x128xf32, #tpu.memory_space<vmem>>
    %dma_wait3A_97 = tpu.memref_squeeze %dma_wait3A_96 : memref<1x320x128xf32, #tpu.memory_space<vmem>> -> memref<320x128xf32, #tpu.memory_space<vmem>>
    %dma_wait3A_98 = arith.constant 0 : i32
    %dma_wait3A_99 = tpu.memref_slice %arg4[%add3A_93, %dma_wait3A_98] : memref<819200x128xf32, #tpu.memory_space<hbm>> -> memref<320x128xf32, #tpu.memory_space<hbm>>
    %dma_wait3A_100 = arith.constant 0 : i32
    %dma_wait3A_101 = tpu.memref_slice %arg4[%add3A_93, %dma_wait3A_100] : memref<819200x128xf32, #tpu.memory_space<hbm>> -> memref<320x128xf32, #tpu.memory_space<hbm>>
    %dma_wait3A_102 = arith.constant 0 : i32
    %dma_wait3A_103 = arith.constant 0 : i32
    %dma_wait3A_104 = tpu.memref_slice %arg8[%dma_wait3A, %dma_wait3A_102, %dma_wait3A_103] : memref<2x320x128xf32, #tpu.memory_space<vmem>> -> memref<1x320x128xf32, #tpu.memory_space<vmem>>
    %dma_wait3A_105 = tpu.memref_squeeze %dma_wait3A_104 : memref<1x320x128xf32, #tpu.memory_space<vmem>> -> memref<320x128xf32, #tpu.memory_space<vmem>>
    tpu.wait_dma2 semaphore(%arg12 : memref<!tpu.dma_semaphore, #tpu.memory_space<semaphore_mem>>) src(%dma_wait3A_105 : memref<320x128xf32, #tpu.memory_space<vmem>>) dst(%dma_wait3A_101 : memref<320x128xf32, #tpu.memory_space<hbm>>)
    return
  }
}

module attributes {stable_mosaic.version = 14 : i64} {
  func.func @pack_kernel(%arg0: i32, %arg1: memref<1x4096x128xf32, #tpu.memory_space<vmem>>, %arg2: memref<1x64x4096xf32, #tpu.memory_space<vmem>>) attributes {dimension_semantics = [#tpu.dimension_semantics<arbitrary>], iteration_bounds = array<i64: 200>, scalar_prefetch = 0 : i64, scratch_operands = 0 : i64, tpu.core_type = #tpu.core_type<tc>, window_params = [{transform_indices = @transform_0, window_bounds = array<i64: 1, 4096, 128>}, {transform_indices = @transform_1, window_bounds = array<i64: 1, 64, 4096>}]} {
    %get3A = arith.constant 0 : index
    %get3A_0 = arith.constant 0 : index
    %get3A_1 = arith.constant 0 : index
    %get3A_2 = vector.load %arg1[%get3A, %get3A_0, %get3A_1] : memref<1x4096x128xf32, #tpu.memory_space<vmem>>, vector<1x4096x128xf32>
    %get3A_3 = vector.shape_cast %get3A_2 : vector<1x4096x128xf32> to vector<4096x128xf32>
    %transpose3A = tpu.transpose %get3A_3, [1, 0] : vector<4096x128xf32> -> vector<128x4096xf32>
    %slice3A = vector.extract_strided_slice %transpose3A {offsets = [0, 0], sizes = [64, 4096], strides = [1, 1]} : vector<128x4096xf32> to vector<64x4096xf32>
    %mul3A = arith.constant 8.000000e+00 : f32
    %mul3A_4 = vector.broadcast %mul3A : f32 to vector<64x4096xf32>
    %mul3A_5 = arith.mulf %slice3A, %mul3A_4 : vector<64x4096xf32>
    %swap3A = arith.constant 0 : index
    %swap3A_6 = arith.constant 0 : index
    %swap3A_7 = arith.constant 0 : index
    %swap3A_8 = vector.load %arg2[%swap3A, %swap3A_6, %swap3A_7] : memref<1x64x4096xf32, #tpu.memory_space<vmem>>, vector<1x64x4096xf32>
    %swap3A_9 = vector.shape_cast %swap3A_8 : vector<1x64x4096xf32> to vector<64x4096xf32>
    %swap3A_10 = vector.shape_cast %mul3A_5 : vector<64x4096xf32> to vector<1x64x4096xf32>
    tpu.vector_store %arg2[%swap3A, %swap3A_6, %swap3A_7], %swap3A_10 {strides = array<i32>} : memref<1x64x4096xf32, #tpu.memory_space<vmem>>, vector<1x64x4096xf32>,
    return
  }
  func.func @transform_0(%arg0: i32) -> (i32, i32, i32) {
    %c0_i32 = arith.constant 0 : i32
    %c0_i32_0 = arith.constant 0 : i32
    %c0_i32_1 = arith.constant 0 : i32
    return %arg0, %c0_i32, %c0_i32_0 : i32, i32, i32
  }
  func.func @transform_1(%arg0: i32) -> (i32, i32, i32) {
    %c0_i32 = arith.constant 0 : i32
    %c0_i32_0 = arith.constant 0 : i32
    %c0_i32_1 = arith.constant 0 : i32
    return %arg0, %c0_i32, %c0_i32_0 : i32, i32, i32
  }
}

</mosaic_0001>

<sc_bundles>
// kernel: kernel.4.cloned.1.call-start
scs
__scs_entry_jumppad:
0x0: {  	(pc) =	sbr.rel $0x88, $3  }
0x1: {  	(tag) =	ssettag $0x0;
	lr =	simm.s32 $0x1  }
0x2: {  	[smem:$0x3F9F] =	sst lr;
	_ =	strace $0xD0000000  }
0x3: {  	_ = 	snop  }
0x4: {  	_ = 	snop  }
0x5: {  	_ = 	snop  }
0x6: {  	_ = 	snop  }
0x7: {  	_ = 	snop  }
__scs_overlays_trampoline_lowered:
0x8: {  	[smem:$0x3FAE] =	sst s0  }
0x9: {  	[smem:$0x3FAF] =	sst s1  }
0xa: {  	[smem:$0x3FB0] =	sst s2  }
0xb: {  	[smem:$0x3FB1] =	sst s3  }
0xc: {  	[smem:$0x3FB2] =	sst s4  }
0xd: {  	[smem:$0x3FB3] =	sst s5  }
0xe: {  	[smem:$0x3FB4] =	sst s6  }
0xf: {  	[smem:$0x3FB5] =	sst s7  }
0x10: {  	[smem:$0x3FB6] =	sst s8  }
0x11: {  	[smem:$0x3FB7] =	sst s9;
	s0 =	simm.s32 @!p0 $0x0  }
0x12: {  	s1 =	sld [smem:$0x3F9D];
	s0 =	simm.s32 @p0 $0x1  }
0x13: {  	[smem:$0x3FB8] =	sst s0;
	s0 =	simm.s32 @!p1 $0x0  }
0x14: {  	s2 =	sld [smem:$0x3F9C];
	s0 =	simm.s32 @p1 $0x1  }
0x15: {  	[smem:$0x3FB9] =	sst s0;
	s0 =	simm.s32 @!p2 $0x0  }
0x16: {  	s3 =	sld [smem:$0x3FDB];
	s0 =	simm.s32 @p2 $0x1  }
0x17: {  	s4 =	simm.s32 $0x1BF5;
	[smem:$0x3FBB] =	sst s0  }
0x18: {  	s0 =	sld [smem:$0x3F9E];
	_ =	swait.ge [sflag:s4], $0x0  }
0x19: {  	s7 =	sld [smem:$0x3F9F]  }
0x1a: {  	s8 =	sadd.s32 $0xFFFFE003, lr  }
0x1b: {  	s9 =	sadd.s32 $0xFFFFFEF7, lr;
	s5 =	simm.s32 $0xFFFFFFFF;
	p2 =	slt.u32 s8, $0xFFFFF086  }
0x1c: {  	p1 =	slt.u32 s9, $0xF7A;
	s5 =	simm.s32 @!p2 $0x0  }
0x1d: {  	s5 =	simm.s32 @p1 $0x1;
	p0 =	seq.s32 s7, s2  }
0x1e: {  	s7 =	smul.u32 @!p0 $0xF7A, s2;
	p2 =	seq.s32 @!p0 s5, $0x0  }
0x1f: {  	s9 =	smul.u32 $0xF7A, s1;
	s8 =	simm.s32 @!p0 $0x1BF5;
	p2 =	por !p2, p0  }
0x20: {  	[sflag:s8] =	ssyncset.s32 @!p0 $0xFFFFF086;
	s6 =	sadd.s32 @!p0 s3, s7;
	s7 =	simm.s32 @!p0 $0x108  }
0x21: {  	s3 =	sadd.s32 s3, s9;
	s6 =	sadd.s32 @!p0 $0x88, s6;
	s7 =	simm.s32 @p2 $0x1082  }
0x22: {  	[simem:s7], [sflag:s8] =	dma.local @!p0 [hbm:s6], $0xF7A  }
0x23: {  	s9 =	sor.u32 $0xD0000000, s2;
	s6 =	simm.s32 $0x108;
	_ =	swait.ge @!p0 [sflag:s8], $0x0  }
0x24: {  	s3 =	sadd.s32 $0x88, s3;
	s6 =	simm.s32 @!p1 $0x1082;
	[sflag:s4] =	ssyncset.s32 $0xFFFFF086  }
0x25: {  	[simem:s6], [sflag:s4] =	dma.local [hbm:s3], $0xF7A  }
0x26: {  	[smem:$0x3F9F] =	sst s1;
	(tag) =	ssettag s2;
	_ =	strace s9  }
0x27: {  	s1 =	sld [smem:$0x3FAF]  }
0x28: {  	s2 =	sld [smem:$0x3FB0]  }
0x29: {  	s4 =	sld [smem:$0x3FB2]  }
0x2a: {  	p0 =	seq.s32 s5, $0x0;
	s5 =	sld [smem:$0x3FB3]  }
0x2b: {  	s6 =	sld [smem:$0x3FB4]  }
0x2c: {  	s7 =	sld [smem:$0x3FB5]  }
0x2d: {  	s3 =	simm.s32 $0x108;
	s8 =	sld [smem:$0x3FB6]  }
0x2e: {  	s3 =	simm.s32 @!p0 $0x1082;
	s9 =	sld [smem:$0x3FB7]  }
0x2f: {  	lr =	sadd.s32 s0, s3;
	s0 =	sld [smem:$0x3FAE]  }
0x30: {  	s3 =	sld [smem:$0x3FB1]  }
0x31: {  	[smem:$0x3FBA] =	sst s10  }
0x32: {  	s10 =	sld [smem:$0x3FB8];
	_ =	sdelay $0x3  }
0x33: {  	p0 =	seq.s32 s10, $0x1;
	s10 =	sld [smem:$0x3FBA];
	_ =	sdelay $0x3  }
0x34: {  	[smem:$0x3FBA] =	sst s10  }
0x35: {  	s10 =	sld [smem:$0x3FB9];
	_ =	sdelay $0x3  }
0x36: {  	p1 =	seq.s32 s10, $0x1;
	s10 =	sld [smem:$0x3FBA];
	_ =	sdelay $0x3  }
0x37: {  	[smem:$0x3FBA] =	sst s10  }
0x38: {  	s10 =	sld [smem:$0x3FBB]  }
0x39: {  	_ = 	snop;
	(pc) =	sbr.ind lr, $3  }
0x3a: {  	_ = 	snop  }
0x3b: {  	_ = 	snop  }
0x3c: {  	p2 =	seq.s32 s10, $0x1;
	s10 =	sld [smem:$0x3FBA]  }
0x3d: {  	_ =	shalt  }
0x3e: {  	_ =	shalt  }
0x3f: {  	_ =	shalt  }
0x40: {  	_ =	shalt  }
0x41: {  	_ =	shalt  }
0x42: {  	_ =	shalt  }
0x43: {  	_ =	shalt  }
0x44: {  	_ =	shalt  }
0x45: {  	_ =	shalt  }
0x46: {  	_ =	shalt  }
0x47: {  	_ =	shalt  }
0x48: {  	_ =	shalt  }
0x49: {  	_ =	shalt  }
0x4a: {  	_ =	shalt  }
0x4b: {  	_ =	shalt  }
0x4c: {  	_ =	shalt  }
0x4d: {  	_ =	shalt  }
0x4e: {  	_ =	shalt  }
0x4f: {  	_ =	shalt  }
0x50: {  	_ =	shalt  }
0x51: {  	_ =	shalt  }
0x52: {  	_ =	shalt  }
0x53: {  	_ =	shalt  }
0x54: {  	_ =	shalt  }
0x55: {  	_ =	shalt  }
0x56: {  	_ =	shalt  }
0x57: {  	_ =	shalt  }
0x58: {  	_ =	shalt  }
0x59: {  	_ =	shalt  }
0x5a: {  	_ =	shalt  }
0x5b: {  	_ =	shalt  }
0x5c: {  	_ =	shalt  }
0x5d: {  	_ =	shalt  }
0x5e: {  	_ =	shalt  }
0x5f: {  	_ =	shalt  }
0x60: {  	_ =	shalt  }
0x61: {  	_ =	shalt  }
0x62: {  	_ =	shalt  }
0x63: {  	_ =	shalt  }
0x64: {  	_ =	shalt  }
0x65: {  	_ =	shalt  }
0x66: {  	_ =	shalt  }
0x67: {  	_ =	shalt  }
0x68: {  	_ =	shalt  }
0x69: {  	_ =	shalt  }
0x6a: {  	_ =	shalt  }
0x6b: {  	_ =	shalt  }
0x6c: {  	_ =	shalt  }
0x6d: {  	_ =	shalt  }
0x6e: {  	_ =	shalt  }
0x6f: {  	_ =	shalt  }
0x70: {  	_ =	shalt  }
0x71: {  	_ =	shalt  }
0x72: {  	_ =	shalt  }
0x73: {  	_ =	shalt  }
0x74: {  	_ =	shalt  }
0x75: {  	_ =	shalt  }
0x76: {  	_ =	shalt  }
0x77: {  	_ =	shalt  }
0x78: {  	_ =	shalt  }
0x79: {  	_ =	shalt  }
0x7a: {  	_ =	shalt  }
0x7b: {  	_ =	shalt  }
0x7c: {  	_ =	shalt  }
0x7d: {  	_ =	shalt  }
0x7e: {  	_ =	shalt  }
0x7f: {  	_ =	shalt  }
0x80: {  	_ =	shalt  }
0x81: {  	_ =	shalt  }
0x82: {  	_ =	shalt  }
0x83: {  	_ =	shalt  }
0x84: {  	_ =	shalt  }
0x85: {  	_ =	shalt  }
0x86: {  	_ =	shalt  }
0x87: {  	_ =	shalt  }
.Lfunc_end0:
.L_simem_size_0:
called_computation_lowered:
.L_overlay_start_0:
0x88: {  	s2 =	sld [smem:$0x3FD9]  }
0x89: {  	s3 =	sld [smem:$0x3FFE];
	_ =	sdelay $0x1  }
0x8a: {  	s1 =	srdreg.scid  }
0x8b: {  	s0 =	sand.u32 $0x1, s1  }
0x8c: {  	s17 =	sshll.u32 s0, $0xA;
	s2 =	sadd.s32 s3, s2  }
0x8d: {  	s2 =	sadd.s32 s2, s17  }
0x8e: {  	[smem:$0x3FC6] =	sst s2  }
0x8f: {  	_ = 	snop  }
0x90: {  	s2 =	sld [smem:$0x3FD0];
	(tm) =	ssettm $0x1  }
0x91: {  	s18 =	sld [smem:$0x3FFB];
	_ =	sdelay $0x3  }
0x92: {  	_ =	strace s18  }
0x93: {  	s3 =	sld [smem:$0x3FFC];
	_ =	sdelay $0x3  }
0x94: {  	_ =	strace s3  }
0x95: {  	s3 =	sld [smem:$0x3FFD];
	_ =	sdelay $0x3  }
0x96: {  	_ =	strace s3  }
0x97: {  	_ =	strace $0x8FFFFFFF  }
0x98: {  	s19 =	sld [smem:$0x3FDB];
	_ =	sdelay $0x1  }
0x99: {  	s4 =	simm.s32 $_scs_section_size  }
0x9a: {  	s5 =	simm.s32 $_size__tile_overlayer_lowered;
	s6 =	simm.s32 $_tile_overlayer_lowered  }
0x9b: {  	s22 =	simm.s32 $0x1BFF;
	s21 =	sshll.u32 s6, $0x1;
	s3 =	sadd.s32 s4, s19  }
0x9c: {  	s7 =	simm.s32 $0x0;
	s20 =	sshll.u32 s5, $0x1;
	s5 =	sadd.s32 s21, s3  }
0x9d: {  	[timem:s7], [sflag:s22] =	dma.local [hbm:s5], s20  }
0x9e: {  	_ =	swait.ge [sflag:s22], s20  }
0x9f: {  	s4 =	ssub.s32 $0x0, s20;
	[sflag:s22] =	ssyncset.done $0x0  }
0xa0: {  	[sflag:s22] =	ssyncadd.s32 s4;
	_ =	sdelay $0x1  }
0xa1: {  	s23 =	simm.s32 $0x1B8B  }
0xa2: {  	_ =	swait.ge [sflag:s23], $0x1  }
0xa3: {  	[sflag:s23] =	ssyncset.done $0x0  }
0xa4: {  	s25 =	simm.s32 $0x1B8E;
	s24 =	sld [smem:$0x3FFE];
	[sflag:s23] =	ssyncadd.s32 $0xFFFFFFFF  }
0xa5: {  	s26 =	simm.s32 $execute0_lowered;
	[smem:$0x3FD2] =	sst s25  }
0xa6: {  	s5 =	sshll.u32 s26, $0x1;
	_ =	strace $0x80000046;
	[dreg:$0x1] =	wrdreg $0xFFFFFFFF  }
0xa7: {  	s28 =	simm.s32 $_size_execute0_lowered;
	s3 =	sadd.s32 s3, s5;
	[dreg:$0x0] =	wrdreg $0x0  }
0xa8: {  	s5 =	sshll.u32 s28, $0x1;
	[dreg:$0x2] =	wrdreg s3  }
0xa9: {  	[dreg:$0x3] =	wrdreg s5  }
0xaa: {  	[dreg:$0x4] =	wrdreg $0xC0  }
0xab: {  	_ =	task [dreg:s7], $0x5FFFF  }
0xac: {  	[dreg:$0x1] =	wrdreg $0xFFFFFFFF  }
0xad: {  	[dreg:$0x0] =	wrdreg $0x60  }
0xae: {  	[dreg:$0x2] =	wrdreg s2  }
0xaf: {  	[dreg:$0x3] =	wrdreg s24  }
0xb0: {  	[dreg:$0x4] =	wrdreg $0x9  }
0xb1: {  	_ =	task.clear_ibuf [dreg:s7], $0x5FFFF;
	_ =	strace $0x90000046  }
0xb2: {  	s29 =	simm.s32 $0x9;
	_ =	strace $0x80000048  }
0xb3: {  	_ =	swait.ge [sflag:s29], $0x1  }
0xb4: {  	[sflag:s29] =	ssyncadd.s32 $0xFFFFFFFF  }
0xb5: {  	_ =	strace $0x90000048  }
0xb6: {  	_ =	sfence  }
0xb7: {  	s30 =	sld [smem:$0x0];
	_ =	sdelay $0x2  }
0xb8: {  	s31 =	sshll.u32 s1, $0xD;
	s1 =	sshrl.u32 s1, $0x2  }
0xb9: {  	s3 =	sand.u32 $0x4000, s31;
	s1 =	sadd.s32 s1, s30  }
0xba: {  	s0 =	sor.u32 s3, s0;
	s1 =	sshll.u32 s1, $0x11  }
0xbb: {  	s0 =	sor.u32 s1, s0  }
0xbc: {  	s0 =	sadd.s32 $0x8F2B, s0  }
0xbd: {  	[sflag:s0] =	ssyncadd.remote.s32 $0x1  }
0xbe: {  	_ =	sfence.sel $0xFFFF  }
0xbf: {  	[dreg:$0x0] =	wrdreg $0xFFFFFFFF;
	(pc) =	sbr.abs _section_cstart, $3  }
0xc0: {  	[dreg:$0x1] =	wrdreg $0xFFFFFFFF  }
0xc1: {  	_ =	task.clear_ibuf [dreg:s7], $0x2FFFF;
	_ =	strace $0x9FFFFFFF  }
0xc2: {  	(tm) =	ssettm $0x7FFFFFFF  }
0xc3: {  	_ =	shalt  }
tec
execute0_lowered:
.L_overlay_start_1:
0x0: {  	(tag) =	ssettag $0x1  }
0x1: {  	s4 =	rddreg [dreg:$0x0]  }
0x2: {  	s5 =	rddreg [dreg:$0x1]  }
0x3: {  	s0 =	rddreg [dreg:$0x2]  }
0x4: {  	s1 =	stileid.u32;
	s3 =	srdreg.scid  }
0x5: {  	s2 =	simm.s32 $0x0;
	s11 =	simm.s32 $0x6580;
	s12 =	simm.s32 $0x10700  }
0x6: {  	s13 =	simm.s32 $0x1;
	s14 =	simm.s32 $0x3;
	s15 =	simm.s32 $0x2  }
0x7: {  	s16 =	simm.s32 $0x4;
	s17 =	simm.s32 $0x0;
	s6 =	sand.u32 $0x1, s3  }
0x8: {  	s29 =	sshll.u32 s1, $0x1;
	[smem:$0x7FF] =	sst s2;
	s7 =	smul.u32 $0xC8000, s1  }
0x9: {  	s3 =	sor.u32 s6, s29;
	s8 =	ssub.s32 $0x2, s6;
	s6 =	smul.u32 $0x64000, s6  }
0xa: {  	_ =	strace $0x80000047;
	s9 =	smul.u32 $0x6400, s3;
	s10 =	sshrl.u32 s8, $0x1  }
0xb: {  	s3 =	sadd.s32 $0xF42A00, s5;
	s7 =	sadd.s32 s7, s5;
	s30 =	ssub.s32 s8, s10  }
0xc: {  	s6 =	sadd.s32 s6, s7;
	s7 =	simm.s32 $0x5;
	s8 =	simm.s32 $0x6400  }
0xd: {  	s10 =	simm.s32 $0x140;
	s31 =	sshrl.u32 s9, $0x3;
	s5 =	smax.u32 s30, $0x1  }
0xe: {  	s6 =	sadd.s32 $0x600, s6;
	s9 =	simm.s32 $0x6700;
	s4 =	sadd.s32 s4, s31  }
.LBB2_1:
0xf: {  	[tilespmem:s2], [sflag:$0x5] =	stream.linear.gather [hbm4b:s4+s2], $0x6400, $0x38;
	[tilespmem:$0x1A700] =	vst v63  }
0x10: {  	_ =	swait.ge [sflag:s7], $0x6400  }
0x11: {  	[sflag:s7] =	ssyncset.done $0x0  }
0x12: {  	[sflag:s7] =	ssyncadd.s32 $0xFFFF9C00  }
0x13: {  	v0 =	vld [tilespmem:$0x0]  }
0x14: {  	v1 =	vld [tilespmem:$0x10]  }
0x15: {  	v2 =	vld [tilespmem:$0x20]  }
0x16: {  	v3 =	vld [tilespmem:$0x30]  }
0x17: {  	v4 =	vld [tilespmem:$0x40]  }
0x18: {  	v48 =	vld [tilespmem:$0x50];
	[tilespmem:$0x6400] =	vst v0  }
0x19: {  	v49 =	vld [tilespmem:$0x60];
	[tilespmem:$0x6410] =	vst v1  }
0x1a: {  	v50 =	vld [tilespmem:$0x70];
	[tilespmem:$0x6420] =	vst v2  }
0x1b: {  	v51 =	vld [tilespmem:$0x80];
	[tilespmem:$0x6430] =	vst v3  }
0x1c: {  	v52 =	vld [tilespmem:$0x90];
	[tilespmem:$0x6440] =	vst v4  }
0x1d: {  	v53 =	vld [tilespmem:$0xA0];
	[tilespmem:$0x6450] =	vst v48  }
0x1e: {  	v54 =	vld [tilespmem:$0xB0];
	[tilespmem:$0x6460] =	vst v49  }
0x1f: {  	v55 =	vld [tilespmem:$0xC0];
	[tilespmem:$0x6470] =	vst v50  }
0x20: {  	v56 =	vld [tilespmem:$0xD0];
	[tilespmem:$0x6480] =	vst v51  }
0x21: {  	v57 =	vld [tilespmem:$0xE0];
	[tilespmem:$0x6490] =	vst v52  }
0x22: {  	v58 =	vld [tilespmem:$0xF0];
	[tilespmem:$0x64A0] =	vst v53  }
0x23: {  	v59 =	vld [tilespmem:$0x100];
	[tilespmem:$0x64B0] =	vst v54  }
0x24: {  	v60 =	vld [tilespmem:$0x110];
	[tilespmem:$0x64C0] =	vst v55  }
0x25: {  	v61 =	vld [tilespmem:$0x120];
	[tilespmem:$0x64D0] =	vst v56  }
0x26: {  	v62 =	vld [tilespmem:$0x130];
	[tilespmem:$0x64E0] =	vst v57  }
0x27: {  	[tilespmem:$0x64F0] =	vst v58  }
0x28: {  	[tilespmem:$0x6500] =	vst v59  }
0x29: {  	[tilespmem:$0x6510] =	vst v60  }
0x2a: {  	p0 =	por $0x1, $0x1;
	[tilespmem:$0x6520] =	vst v61  }
0x2b: {  	s19 =	simm.s32 @!p0 $0x4;
	[tilespmem:$0x6530] =	vst v62  }
0x2c: {  	[tilespmem:s9], [sflag:$0x1] =	stream.indirect.gather [hbm4b:s3+s10], $0x80, s8, s10, $0xb8;
	[tilespmem:$0x1A700] =	vst v63  }
0x2d: {  	_ =	swait.ge @!p0 [sflag:s19], $0xA000  }
0x2e: {  	[sflag:s19] =	ssyncset.done @!p0 $0x0  }
0x2f: {  	s18 =	simm.s32 $0x1E0;
	[sflag:s19] =	ssyncadd.s32 @!p0 $0xFFFF6000  }
0x30: {  	v63 =	vld [tilespmem:s18+$0xFFFFFF60];
	_ =	sdelay $0x4  }
0x31: {  	s29 =	sor.u32 $0x50, s10;
	[tilespmem:$0x6580] =	vst v63  }
0x32: {  	v0 =	vld [tilespmem:s29+$0x0];
	_ =	sdelay $0x4  }
0x33: {  	s30 =	sor.u32 $0x60, s10;
	[tilespmem:$0x6590] =	vst v0  }
0x34: {  	v0 =	vld [tilespmem:s30+$0x0];
	_ =	sdelay $0x4  }
0x35: {  	s31 =	sor.u32 $0x70, s10;
	[tilespmem:$0x65A0] =	vst v0  }
0x36: {  	v0 =	vld [tilespmem:s31+$0x0];
	_ =	sdelay $0x4  }
0x37: {  	[tilespmem:$0x65B0] =	vst v0  }
0x38: {  	v0 =	vld [tilespmem:s18+$0xFFFFFFA0];
	_ =	sdelay $0x4  }
0x39: {  	[tilespmem:$0x65C0] =	vst v0  }
0x3a: {  	v0 =	vld [tilespmem:s18+$0xFFFFFFB0];
	_ =	sdelay $0x4  }
0x3b: {  	[tilespmem:$0x65D0] =	vst v0  }
0x3c: {  	v0 =	vld [tilespmem:s18+$0xFFFFFFC0];
	_ =	sdelay $0x4  }
0x3d: {  	[tilespmem:$0x65E0] =	vst v0  }
0x3e: {  	v0 =	vld [tilespmem:s18+$0xFFFFFFD0];
	_ =	sdelay $0x4  }
0x3f: {  	[tilespmem:$0x65F0] =	vst v0  }
0x40: {  	v0 =	vld [tilespmem:s18+$0xFFFFFFE0];
	_ =	sdelay $0x4  }
0x41: {  	[tilespmem:$0x6600] =	vst v0  }
0x42: {  	v0 =	vld [tilespmem:s18+$0xFFFFFFF0];
	_ =	sdelay $0x4  }
0x43: {  	[tilespmem:$0x6610] =	vst v0  }
0x44: {  	v0 =	vld [tilespmem:s18+$0x0];
	_ =	sdelay $0x4  }
0x45: {  	[tilespmem:$0x6620] =	vst v0  }
0x46: {  	v0 =	vld [tilespmem:s18+$0x10];
	_ =	sdelay $0x4  }
0x47: {  	[tilespmem:$0x6630] =	vst v0  }
0x48: {  	v0 =	vld [tilespmem:s18+$0x20];
	_ =	sdelay $0x4  }
0x49: {  	[tilespmem:$0x6640] =	vst v0  }
0x4a: {  	v0 =	vld [tilespmem:s18+$0x30];
	_ =	sdelay $0x4  }
0x4b: {  	[tilespmem:$0x6650] =	vst v0  }
0x4c: {  	v0 =	vld [tilespmem:s18+$0x40];
	_ =	sdelay $0x4  }
0x4d: {  	[tilespmem:$0x6660] =	vst v0  }
0x4e: {  	v0 =	vld [tilespmem:s18+$0x50];
	_ =	sdelay $0x4  }
0x4f: {  	[tilespmem:$0x6670] =	vst v0  }
0x50: {  	v0 =	vld [tilespmem:s18+$0x60];
	_ =	sdelay $0x4  }
0x51: {  	[tilespmem:$0x6680] =	vst v0  }
0x52: {  	v0 =	vld [tilespmem:s18+$0x70];
	_ =	sdelay $0x4  }
0x53: {  	[tilespmem:$0x6690] =	vst v0  }
0x54: {  	v0 =	vld [tilespmem:s18+$0x80];
	_ =	sdelay $0x4  }
0x55: {  	[tilespmem:$0x66A0] =	vst v0  }
0x56: {  	v0 =	vld [tilespmem:s18+$0x90];
	_ =	sdelay $0x4  }
0x57: {  	[tilespmem:$0x66B0] =	vst v0  }
0x58: {  	[tilespmem:s12], [sflag:$0x2] =	stream.indirect.gather [hbm4b:s3+s10], $0x80, s11, s10, $0xb8;
	[tilespmem:$0x1A700] =	vst v63  }
0x59: {  	_ =	swait.ge [sflag:s13], $0xA000  }
0x5a: {  	[sflag:s13] =	ssyncset.done $0x0  }
0x5b: {  	s22 =	sadd.s32 $0x0, s6;
	[sflag:s13] =	ssyncadd.s32 $0xFFFF6000  }
0x5c: {  	[hbm4b:s22+s2] =	stream.linear.scatter [tilespmem:s9], [sflag:$0x3], $0xA000, $0x38;
	[tilespmem:$0x1A700] =	vst v63  }
0x5d: {  	_ =	swait.ge [sflag:s14], $0xA000  }
0x5e: {  	[sflag:s14] =	ssyncset.done $0x0  }
0x5f: {  	p0 =	por $0x0, $0x0;
	[sflag:s14] =	ssyncadd.s32 $0xFFFF6000  }
0x60: {  	v0 =	vld @!p0 [tilespmem:s18+$0xA0];
	_ =	sdelay $0x4  }
0x61: {  	[tilespmem:$0x6400] =	vst @!p0 v0  }
0x62: {  	v0 =	vld @!p0 [tilespmem:s18+$0xB0];
	_ =	sdelay $0x4  }
0x63: {  	[tilespmem:$0x6410] =	vst @!p0 v0  }
0x64: {  	v0 =	vld @!p0 [tilespmem:s18+$0xC0];
	_ =	sdelay $0x4  }
0x65: {  	[tilespmem:$0x6420] =	vst @!p0 v0  }
0x66: {  	v0 =	vld @!p0 [tilespmem:s18+$0xD0];
	_ =	sdelay $0x4  }
0x67: {  	[tilespmem:$0x6430] =	vst @!p0 v0  }
0x68: {  	v0 =	vld @!p0 [tilespmem:s18+$0xE0];
	_ =	sdelay $0x4  }
0x69: {  	[tilespmem:$0x6440] =	vst @!p0 v0  }
0x6a: {  	v0 =	vld @!p0 [tilespmem:s18+$0xF0];
	_ =	sdelay $0x4  }
0x6b: {  	[tilespmem:$0x6450] =	vst @!p0 v0  }
0x6c: {  	v0 =	vld @!p0 [tilespmem:s18+$0x100];
	_ =	sdelay $0x4  }
0x6d: {  	[tilespmem:$0x6460] =	vst @!p0 v0  }
0x6e: {  	v0 =	vld @!p0 [tilespmem:s18+$0x110];
	_ =	sdelay $0x4  }
0x6f: {  	[tilespmem:$0x6470] =	vst @!p0 v0  }
0x70: {  	v0 =	vld @!p0 [tilespmem:s18+$0x120];
	_ =	sdelay $0x4  }
0x71: {  	[tilespmem:$0x6480] =	vst @!p0 v0  }
0x72: {  	v0 =	vld @!p0 [tilespmem:s18+$0x130];
	_ =	sdelay $0x4  }
0x73: {  	[tilespmem:$0x6490] =	vst @!p0 v0  }
0x74: {  	v0 =	vld @!p0 [tilespmem:s18+$0x140];
	_ =	sdelay $0x4  }
0x75: {  	[tilespmem:$0x64A0] =	vst @!p0 v0  }
0x76: {  	v0 =	vld @!p0 [tilespmem:s18+$0x150];
	_ =	sdelay $0x4  }
0x77: {  	[tilespmem:$0x64B0] =	vst @!p0 v0  }
0x78: {  	v0 =	vld @!p0 [tilespmem:s18+$0x160];
	_ =	sdelay $0x4  }
0x79: {  	[tilespmem:$0x64C0] =	vst @!p0 v0  }
0x7a: {  	v0 =	vld @!p0 [tilespmem:s18+$0x170];
	_ =	sdelay $0x4  }
0x7b: {  	[tilespmem:$0x64D0] =	vst @!p0 v0  }
0x7c: {  	v0 =	vld @!p0 [tilespmem:s18+$0x180];
	_ =	sdelay $0x4  }
0x7d: {  	[tilespmem:$0x64E0] =	vst @!p0 v0  }
0x7e: {  	v0 =	vld @!p0 [tilespmem:s18+$0x190];
	_ =	sdelay $0x4  }
0x7f: {  	[tilespmem:$0x64F0] =	vst @!p0 v0  }
0x80: {  	v0 =	vld @!p0 [tilespmem:s18+$0x1A0];
	_ =	sdelay $0x4  }
0x81: {  	[tilespmem:$0x6500] =	vst @!p0 v0  }
0x82: {  	v0 =	vld @!p0 [tilespmem:s18+$0x1B0];
	_ =	sdelay $0x4  }
0x83: {  	[tilespmem:$0x6510] =	vst @!p0 v0  }
0x84: {  	v0 =	vld @!p0 [tilespmem:s18+$0x1C0];
	_ =	sdelay $0x4  }
0x85: {  	[tilespmem:$0x6520] =	vst @!p0 v0  }
0x86: {  	v0 =	vld @!p0 [tilespmem:s18+$0x1D0];
	_ =	sdelay $0x3  }
0x87: {  	s21 =	simm.s32 $0x5000;
	p1 =	por $0x0, $0x0  }
0x88: {  	s20 =	simm.s32 @!p0 $0x6400;
	s23 =	simm.s32 @!p0 $0x6700;
	s18 =	simm.s32 @!p0 $0x140;
	[tilespmem:$0x6530] =	vst @!p0 v0  }
0x89: {  	[tilespmem:s23], [sflag:$0x1] =	stream.indirect.gather @!p0 [hbm4b:s3+s18], $0x80, s20, s18, $0xb8;
	[tilespmem:$0x1A700] =	vst v63  }
0x8a: {  	s19 =	simm.s32 $0x2800;
	s18 =	simm.s32 $0x460;
	_ =	swait.ge [sflag:s15], $0xA000  }
0x8b: {  	s20 =	simm.s32 $0x3C0;
	s23 =	sadd.s32 $0x1400, s22;
	[sflag:s15] =	ssyncset.done $0x0  }
.LBB2_2:
0x8c: {  	s24 =	simm.s32 @!p1 $0x4  }
0x8d: {  	[sflag:s15] =	ssyncadd.s32 $0xFFFF6000;
	s22 =	smov.u32 s21;
	s21 =	sadd.s32 $0x2800, s21  }
0x8e: {  	[hbm4b:s23+s2] =	stream.linear.scatter [tilespmem:s12], [sflag:$0x4], $0xA000, $0x38;
	[tilespmem:$0x1A700] =	vst v63  }
0x8f: {  	p0 =	sne.s32 s21, $0x64000;
	_ =	swait.ge @!p1 [sflag:s24], $0xA000  }
0x90: {  	[sflag:s24] =	ssyncset.done @!p1 $0x0  }
0x91: {  	[sflag:s24] =	ssyncadd.s32 @!p1 $0xFFFF6000  }
0x92: {  	v0 =	vld [tilespmem:s18+$0xFFFFFF60];
	_ =	sdelay $0x4  }
0x93: {  	s23 =	sor.u32 $0x50, s20;
	[tilespmem:$0x6580] =	vst v0  }
0x94: {  	v0 =	vld [tilespmem:s23+$0x0];
	_ =	sdelay $0x4  }
0x95: {  	s23 =	sor.u32 $0x60, s20;
	[tilespmem:$0x6590] =	vst v0  }
0x96: {  	v0 =	vld [tilespmem:s23+$0x0];
	_ =	sdelay $0x4  }
0x97: {  	s23 =	sor.u32 $0x70, s20;
	[tilespmem:$0x65A0] =	vst v0  }
0x98: {  	v0 =	vld [tilespmem:s23+$0x0];
	_ =	sdelay $0x4  }
0x99: {  	[tilespmem:$0x65B0] =	vst v0  }
0x9a: {  	v0 =	vld [tilespmem:s18+$0xFFFFFFA0];
	_ =	sdelay $0x4  }
0x9b: {  	[tilespmem:$0x65C0] =	vst v0  }
0x9c: {  	v0 =	vld [tilespmem:s18+$0xFFFFFFB0];
	_ =	sdelay $0x4  }
0x9d: {  	[tilespmem:$0x65D0] =	vst v0  }
0x9e: {  	v0 =	vld [tilespmem:s18+$0xFFFFFFC0];
	_ =	sdelay $0x4  }
0x9f: {  	[tilespmem:$0x65E0] =	vst v0  }
0xa0: {  	v0 =	vld [tilespmem:s18+$0xFFFFFFD0];
	_ =	sdelay $0x4  }
0xa1: {  	[tilespmem:$0x65F0] =	vst v0  }
0xa2: {  	v0 =	vld [tilespmem:s18+$0xFFFFFFE0];
	_ =	sdelay $0x4  }
0xa3: {  	[tilespmem:$0x6600] =	vst v0  }
0xa4: {  	v0 =	vld [tilespmem:s18+$0xFFFFFFF0];
	_ =	sdelay $0x4  }
0xa5: {  	[tilespmem:$0x6610] =	vst v0  }
0xa6: {  	v0 =	vld [tilespmem:s18+$0x0];
	_ =	sdelay $0x4  }
0xa7: {  	[tilespmem:$0x6620] =	vst v0  }
0xa8: {  	v0 =	vld [tilespmem:s18+$0x10];
	_ =	sdelay $0x4  }
0xa9: {  	[tilespmem:$0x6630] =	vst v0  }
0xaa: {  	v0 =	vld [tilespmem:s18+$0x20];
	_ =	sdelay $0x4  }
0xab: {  	[tilespmem:$0x6640] =	vst v0  }
0xac: {  	v0 =	vld [tilespmem:s18+$0x30];
	_ =	sdelay $0x4  }
0xad: {  	[tilespmem:$0x6650] =	vst v0  }
0xae: {  	v0 =	vld [tilespmem:s18+$0x40];
	_ =	sdelay $0x4  }
0xaf: {  	[tilespmem:$0x6660] =	vst v0  }
0xb0: {  	v0 =	vld [tilespmem:s18+$0x50];
	_ =	sdelay $0x4  }
0xb1: {  	[tilespmem:$0x6670] =	vst v0  }
0xb2: {  	v0 =	vld [tilespmem:s18+$0x60];
	_ =	sdelay $0x4  }
0xb3: {  	[tilespmem:$0x6680] =	vst v0  }
0xb4: {  	v0 =	vld [tilespmem:s18+$0x70];
	_ =	sdelay $0x4  }
0xb5: {  	[tilespmem:$0x6690] =	vst v0  }
0xb6: {  	v0 =	vld [tilespmem:s18+$0x80];
	_ =	sdelay $0x4  }
0xb7: {  	[tilespmem:$0x66A0] =	vst v0  }
0xb8: {  	v0 =	vld [tilespmem:s18+$0x90];
	_ =	sdelay $0x4  }
0xb9: {  	[tilespmem:$0x66B0] =	vst v0  }
0xba: {  	[tilespmem:s12], [sflag:$0x2] =	stream.indirect.gather [hbm4b:s3+s10], $0x80, s11, s10, $0xb8;
	[tilespmem:$0x1A700] =	vst v63  }
0xbb: {  	_ =	swait.ge [sflag:s13], $0xA000  }
0xbc: {  	[sflag:s13] =	ssyncset.done $0x0  }
0xbd: {  	s23 =	sadd.s32 s19, s6;
	[sflag:s13] =	ssyncadd.s32 $0xFFFF6000  }
0xbe: {  	[hbm4b:s23+s2] =	stream.linear.scatter [tilespmem:s9], [sflag:$0x3], $0xA000, $0x38;
	[tilespmem:$0x1A700] =	vst v63  }
0xbf: {  	_ =	swait.ge [sflag:s14], $0xA000  }
0xc0: {  	[sflag:s14] =	ssyncset.done $0x0  }
0xc1: {  	p1 =	seq.s32 s19, $0x61800;
	s19 =	smov.u32 s22;
	[sflag:s14] =	ssyncadd.s32 $0xFFFF6000  }
0xc2: {  	v0 =	vld @!p1 [tilespmem:s18+$0xA0];
	_ =	sdelay $0x4  }
0xc3: {  	[tilespmem:$0x6400] =	vst @!p1 v0  }
0xc4: {  	v0 =	vld @!p1 [tilespmem:s18+$0xB0];
	_ =	sdelay $0x4  }
0xc5: {  	[tilespmem:$0x6410] =	vst @!p1 v0  }
0xc6: {  	v0 =	vld @!p1 [tilespmem:s18+$0xC0];
	_ =	sdelay $0x4  }
0xc7: {  	[tilespmem:$0x6420] =	vst @!p1 v0  }
0xc8: {  	v0 =	vld @!p1 [tilespmem:s18+$0xD0];
	_ =	sdelay $0x4  }
0xc9: {  	[tilespmem:$0x6430] =	vst @!p1 v0  }
0xca: {  	v0 =	vld @!p1 [tilespmem:s18+$0xE0];
	_ =	sdelay $0x4  }
0xcb: {  	[tilespmem:$0x6440] =	vst @!p1 v0  }
0xcc: {  	v0 =	vld @!p1 [tilespmem:s18+$0xF0];
	_ =	sdelay $0x4  }
0xcd: {  	[tilespmem:$0x6450] =	vst @!p1 v0  }
0xce: {  	v0 =	vld @!p1 [tilespmem:s18+$0x100];
	_ =	sdelay $0x4  }
0xcf: {  	[tilespmem:$0x6460] =	vst @!p1 v0  }
0xd0: {  	v0 =	vld @!p1 [tilespmem:s18+$0x110];
	_ =	sdelay $0x4  }
0xd1: {  	[tilespmem:$0x6470] =	vst @!p1 v0  }
0xd2: {  	v0 =	vld @!p1 [tilespmem:s18+$0x120];
	_ =	sdelay $0x4  }
0xd3: {  	[tilespmem:$0x6480] =	vst @!p1 v0  }
0xd4: {  	v0 =	vld @!p1 [tilespmem:s18+$0x130];
	_ =	sdelay $0x4  }
0xd5: {  	[tilespmem:$0x6490] =	vst @!p1 v0  }
0xd6: {  	v0 =	vld @!p1 [tilespmem:s18+$0x140];
	_ =	sdelay $0x4  }
0xd7: {  	[tilespmem:$0x64A0] =	vst @!p1 v0  }
0xd8: {  	v0 =	vld @!p1 [tilespmem:s18+$0x150];
	_ =	sdelay $0x4  }
0xd9: {  	[tilespmem:$0x64B0] =	vst @!p1 v0  }
0xda: {  	v0 =	vld @!p1 [tilespmem:s18+$0x160];
	_ =	sdelay $0x4  }
0xdb: {  	[tilespmem:$0x64C0] =	vst @!p1 v0  }
0xdc: {  	v0 =	vld @!p1 [tilespmem:s18+$0x170];
	_ =	sdelay $0x4  }
0xdd: {  	[tilespmem:$0x64D0] =	vst @!p1 v0  }
0xde: {  	v0 =	vld @!p1 [tilespmem:s18+$0x180];
	_ =	sdelay $0x4  }
0xdf: {  	[tilespmem:$0x64E0] =	vst @!p1 v0  }
0xe0: {  	v0 =	vld @!p1 [tilespmem:s18+$0x190];
	_ =	sdelay $0x4  }
0xe1: {  	[tilespmem:$0x64F0] =	vst @!p1 v0  }
0xe2: {  	v0 =	vld @!p1 [tilespmem:s18+$0x1A0];
	_ =	sdelay $0x4  }
0xe3: {  	[tilespmem:$0x6500] =	vst @!p1 v0  }
0xe4: {  	v0 =	vld @!p1 [tilespmem:s18+$0x1B0];
	_ =	sdelay $0x4  }
0xe5: {  	[tilespmem:$0x6510] =	vst @!p1 v0  }
0xe6: {  	v0 =	vld @!p1 [tilespmem:s18+$0x1C0];
	_ =	sdelay $0x4  }
0xe7: {  	[tilespmem:$0x6520] =	vst @!p1 v0  }
0xe8: {  	v0 =	vld @!p1 [tilespmem:s18+$0x1D0];
	_ =	sdelay $0x3  }
.Ltmp0:
0xe9: {  	(pc) =	sbr.rel @p0 .LBB2_2-.Ltmp0, $4  }
0xea: {  	s24 =	simm.s32 @!p1 $0x6400;
	s25 =	simm.s32 @!p1 $0x6700;
	s22 =	simm.s32 @!p1 $0x140;
	[tilespmem:$0x6530] =	vst @!p1 v0  }
0xeb: {  	[tilespmem:s25], [sflag:$0x1] =	stream.indirect.gather @!p1 [hbm4b:s3+s22], $0x80, s24, s22, $0xb8;
	[tilespmem:$0x1A700] =	vst v63  }
0xec: {  	s20 =	sadd.s32 $0x280, s20;
	s18 =	sadd.s32 $0x280, s18;
	_ =	swait.ge [sflag:s15], $0xA000  }
0xed: {  	s23 =	sadd.s32 $0x1400, s23;
	p1 =	seq.s32 s19, $0x0;
	[sflag:s15] =	ssyncset.done $0x0  }
0xee: {  	s21 =	simm.s32 @!p1 $0x4;
	[sflag:s15] =	ssyncadd.s32 $0xFFFF6000  }
0xef: {  	[hbm4b:s23+s2] =	stream.linear.scatter [tilespmem:s12], [sflag:$0x4], $0xA000, $0x38;
	[tilespmem:$0x1A700] =	vst v63  }
0xf0: {  	_ =	swait.ge @!p1 [sflag:s21], $0xA000  }
0xf1: {  	[sflag:s21] =	ssyncset.done @!p1 $0x0  }
0xf2: {  	[sflag:s21] =	ssyncadd.s32 @!p1 $0xFFFF6000  }
0xf3: {  	v0 =	vld [tilespmem:s18+$0xFFFFFF60];
	_ =	sdelay $0x4  }
0xf4: {  	s26 =	sor.u32 $0x50, s20;
	[tilespmem:$0x6580] =	vst v0  }
0xf5: {  	v0 =	vld [tilespmem:s26+$0x0];
	_ =	sdelay $0x4  }
0xf6: {  	s28 =	sor.u32 $0x60, s20;
	[tilespmem:$0x6590] =	vst v0  }
0xf7: {  	v0 =	vld [tilespmem:s28+$0x0];
	_ =	sdelay $0x4  }
0xf8: {  	s29 =	sor.u32 $0x70, s20;
	[tilespmem:$0x65A0] =	vst v0  }
0xf9: {  	v0 =	vld [tilespmem:s29+$0x0];
	_ =	sdelay $0x4  }
0xfa: {  	[tilespmem:$0x65B0] =	vst v0  }
0xfb: {  	v0 =	vld [tilespmem:s18+$0xFFFFFFA0];
	_ =	sdelay $0x4  }
0xfc: {  	[tilespmem:$0x65C0] =	vst v0  }
0xfd: {  	v0 =	vld [tilespmem:s18+$0xFFFFFFB0];
	_ =	sdelay $0x4  }
0xfe: {  	[tilespmem:$0x65D0] =	vst v0  }
0xff: {  	v0 =	vld [tilespmem:s18+$0xFFFFFFC0];
	_ =	sdelay $0x4  }
0x100: {  	[tilespmem:$0x65E0] =	vst v0  }
0x101: {  	v0 =	vld [tilespmem:s18+$0xFFFFFFD0];
	_ =	sdelay $0x4  }
0x102: {  	[tilespmem:$0x65F0] =	vst v0  }
0x103: {  	v0 =	vld [tilespmem:s18+$0xFFFFFFE0];
	_ =	sdelay $0x4  }
0x104: {  	[tilespmem:$0x6600] =	vst v0  }
0x105: {  	v0 =	vld [tilespmem:s18+$0xFFFFFFF0];
	_ =	sdelay $0x4  }
0x106: {  	[tilespmem:$0x6610] =	vst v0  }
0x107: {  	v0 =	vld [tilespmem:s18+$0x0];
	_ =	sdelay $0x4  }
0x108: {  	[tilespmem:$0x6620] =	vst v0  }
0x109: {  	v0 =	vld [tilespmem:s18+$0x10];
	_ =	sdelay $0x4  }
0x10a: {  	[tilespmem:$0x6630] =	vst v0  }
0x10b: {  	v0 =	vld [tilespmem:s18+$0x20];
	_ =	sdelay $0x4  }
0x10c: {  	[tilespmem:$0x6640] =	vst v0  }
0x10d: {  	v0 =	vld [tilespmem:s18+$0x30];
	_ =	sdelay $0x4  }
0x10e: {  	[tilespmem:$0x6650] =	vst v0  }
0x10f: {  	v0 =	vld [tilespmem:s18+$0x40];
	_ =	sdelay $0x4  }
0x110: {  	[tilespmem:$0x6660] =	vst v0  }
0x111: {  	v0 =	vld [tilespmem:s18+$0x50];
	_ =	sdelay $0x4  }
0x112: {  	[tilespmem:$0x6670] =	vst v0  }
0x113: {  	v0 =	vld [tilespmem:s18+$0x60];
	_ =	sdelay $0x4  }
0x114: {  	[tilespmem:$0x6680] =	vst v0  }
0x115: {  	v0 =	vld [tilespmem:s18+$0x70];
	_ =	sdelay $0x4  }
0x116: {  	[tilespmem:$0x6690] =	vst v0  }
0x117: {  	v0 =	vld [tilespmem:s18+$0x80];
	_ =	sdelay $0x4  }
0x118: {  	[tilespmem:$0x66A0] =	vst v0  }
0x119: {  	v0 =	vld [tilespmem:s18+$0x90];
	_ =	sdelay $0x4  }
0x11a: {  	[tilespmem:$0x66B0] =	vst v0  }
0x11b: {  	[tilespmem:s12], [sflag:$0x2] =	stream.indirect.gather [hbm4b:s3+s10], $0x80, s11, s10, $0xb8;
	[tilespmem:$0x1A700] =	vst v63  }
0x11c: {  	_ =	swait.ge [sflag:s13], $0xA000  }
0x11d: {  	[sflag:s13] =	ssyncset.done $0x0  }
0x11e: {  	s30 =	sadd.s32 s19, s6;
	[sflag:s13] =	ssyncadd.s32 $0xFFFF6000  }
0x11f: {  	[hbm4b:s30+s2] =	stream.linear.scatter [tilespmem:s9], [sflag:$0x3], $0xA000, $0x38;
	[tilespmem:$0x1A700] =	vst v63  }
0x120: {  	_ =	swait.ge [sflag:s14], $0xA000  }
0x121: {  	[sflag:s14] =	ssyncset.done $0x0  }
0x122: {  	p0 =	seq.s32 s19, $0x61800;
	[sflag:s14] =	ssyncadd.s32 $0xFFFF6000  }
0x123: {  	v0 =	vld @!p0 [tilespmem:s18+$0xA0];
	_ =	sdelay $0x4  }
0x124: {  	[tilespmem:$0x6400] =	vst @!p0 v0  }
0x125: {  	v0 =	vld @!p0 [tilespmem:s18+$0xB0];
	_ =	sdelay $0x4  }
0x126: {  	[tilespmem:$0x6410] =	vst @!p0 v0  }
0x127: {  	v0 =	vld @!p0 [tilespmem:s18+$0xC0];
	_ =	sdelay $0x4  }
0x128: {  	[tilespmem:$0x6420] =	vst @!p0 v0  }
0x129: {  	v0 =	vld @!p0 [tilespmem:s18+$0xD0];
	_ =	sdelay $0x4  }
0x12a: {  	[tilespmem:$0x6430] =	vst @!p0 v0  }
0x12b: {  	v0 =	vld @!p0 [tilespmem:s18+$0xE0];
	_ =	sdelay $0x4  }
0x12c: {  	[tilespmem:$0x6440] =	vst @!p0 v0  }
0x12d: {  	v0 =	vld @!p0 [tilespmem:s18+$0xF0];
	_ =	sdelay $0x4  }
0x12e: {  	[tilespmem:$0x6450] =	vst @!p0 v0  }
0x12f: {  	v0 =	vld @!p0 [tilespmem:s18+$0x100];
	_ =	sdelay $0x4  }
0x130: {  	[tilespmem:$0x6460] =	vst @!p0 v0  }
0x131: {  	v0 =	vld @!p0 [tilespmem:s18+$0x110];
	_ =	sdelay $0x4  }
0x132: {  	[tilespmem:$0x6470] =	vst @!p0 v0  }
0x133: {  	v0 =	vld @!p0 [tilespmem:s18+$0x120];
	_ =	sdelay $0x4  }
0x134: {  	[tilespmem:$0x6480] =	vst @!p0 v0  }
0x135: {  	v0 =	vld @!p0 [tilespmem:s18+$0x130];
	_ =	sdelay $0x4  }
0x136: {  	[tilespmem:$0x6490] =	vst @!p0 v0  }
0x137: {  	v0 =	vld @!p0 [tilespmem:s18+$0x140];
	_ =	sdelay $0x4  }
0x138: {  	[tilespmem:$0x64A0] =	vst @!p0 v0  }
0x139: {  	v0 =	vld @!p0 [tilespmem:s18+$0x150];
	_ =	sdelay $0x4  }
0x13a: {  	[tilespmem:$0x64B0] =	vst @!p0 v0  }
0x13b: {  	v0 =	vld @!p0 [tilespmem:s18+$0x160];
	_ =	sdelay $0x4  }
0x13c: {  	[tilespmem:$0x64C0] =	vst @!p0 v0  }
0x13d: {  	v0 =	vld @!p0 [tilespmem:s18+$0x170];
	_ =	sdelay $0x4  }
0x13e: {  	[tilespmem:$0x64D0] =	vst @!p0 v0  }
0x13f: {  	v0 =	vld @!p0 [tilespmem:s18+$0x180];
	_ =	sdelay $0x4  }
0x140: {  	[tilespmem:$0x64E0] =	vst @!p0 v0  }
0x141: {  	v0 =	vld @!p0 [tilespmem:s18+$0x190];
	_ =	sdelay $0x4  }
0x142: {  	[tilespmem:$0x64F0] =	vst @!p0 v0  }
0x143: {  	v0 =	vld @!p0 [tilespmem:s18+$0x1A0];
	_ =	sdelay $0x4  }
0x144: {  	[tilespmem:$0x6500] =	vst @!p0 v0  }
0x145: {  	v0 =	vld @!p0 [tilespmem:s18+$0x1B0];
	_ =	sdelay $0x4  }
0x146: {  	[tilespmem:$0x6510] =	vst @!p0 v0  }
0x147: {  	v0 =	vld @!p0 [tilespmem:s18+$0x1C0];
	_ =	sdelay $0x4  }
0x148: {  	[tilespmem:$0x6520] =	vst @!p0 v0  }
0x149: {  	v0 =	vld @!p0 [tilespmem:s18+$0x1D0];
	_ =	sdelay $0x4  }
0x14a: {  	s19 =	simm.s32 @!p0 $0x6400;
	s21 =	simm.s32 @!p0 $0x6700;
	s18 =	simm.s32 @!p0 $0x140;
	[tilespmem:$0x6530] =	vst @!p0 v0  }
0x14b: {  	[tilespmem:s21], [sflag:$0x1] =	stream.indirect.gather @!p0 [hbm4b:s3+s18], $0x80, s19, s18, $0xb8;
	[tilespmem:$0x1A700] =	vst v63  }
0x14c: {  	s17 =	sadd.s32 $0x1, s17;
	_ =	swait.ge [sflag:s15], $0xA000  }
0x14d: {  	p0 =	sne.s32 s17, s5;
	[sflag:s15] =	ssyncset.done $0x0  }
.Ltmp1:
0x14e: {  	s31 =	sadd.s32 $0x1400, s30;
	[sflag:s15] =	ssyncadd.s32 $0xFFFF6000;
	(pc) =	sbr.rel @p0 .LBB2_1-.Ltmp1, $4  }
0x14f: {  	[hbm4b:s31+s2] =	stream.linear.scatter [tilespmem:s12], [sflag:$0x4], $0xA000, $0x38;
	[tilespmem:$0x1A700] =	vst v63  }
0x150: {  	_ =	swait.ge [sflag:s16], $0xA000  }
0x151: {  	[sflag:s16] =	ssyncset.done $0x0  }
0x152: {  	[sflag:s16] =	ssyncadd.s32 $0xFFFF6000  }
0x153: {  	_ =	sfence.sel $0x180000  }
0x154: {  	[bflag:$0x0] =	sbarrier.arrive $0xFFFF  }
0x155: {  	p0 =	sne.s32 s1, $0x0;
	_ =	strace $0x90000047  }
0x156: {  	s0 =	sadd.s32 @!p0 $0x100000, s0;
	[bflag:$0x2] =	sbarrier.arrive $0xFFFF  }
0x157: {  	[sflag:s0] =	ssyncadd.tile.s32 @!p0 $0x1;
	_ =	shalt  }
.Lfunc_end2:
_tile_overlayer_lowered:
.L_overlay_start_2:
0x158: {  	(tag) =	ssettag $0x2  }
0x159: {  	s0 =	rddreg [dreg:$0x0];
	s2 =	stileid.u32  }
0x15a: {  	s1 =	rddreg [dreg:$0x1];
	p0 =	sne.s32 s2, $0x0  }
0x15b: {  	s3 =	rddreg [dreg:$0x2];
	[bflag:$0x3] =	sbarrier.arrive $0xFFFF;
	s2 =	simm.s32 @!p0 $0x1C05  }
0x15c: {  	[timem:s3], [sflag:s2] =	dma.local @!p0 [hbm:s0], s1  }
0x15d: {  	s0 =	simm.s32 @!p0 $0x5  }
0x15e: {  	_ =	swait.ge @!p0 [sflag:s0], s1  }
0x15f: {  	s1 =	ssub.s32 @!p0 $0x0, s1;
	[sflag:s0] =	ssyncset.done @!p0 $0x0  }
0x160: {  	[sflag:s0] =	ssyncadd.s32 @!p0 s1  }
0x161: {  	[bflag:$0x3] =	sbarrier.arrive $0xFFFF  }
0x162: {  	_ =	shalt  }

</sc_bundles>
